<compile_context>
chip_gen: v7x
topology: tpu7x:2x2x1
jax: 0.10.2.dev20260603
libtpu: 0.0.44.dev20260713+nightly
codegen_flags: <defaults>
</compile_context>

<pallas_src>
import functools

import jax
import jax.numpy as jnp
import numpy as np
from jax import lax
from jax.experimental import pallas as pl
from jax.experimental.pallas import tpu as pltpu
from jax.experimental.pallas import tpu_sc as plsc

D_MODEL = 256
N_LEVELS = 4
N_HEADS = 8
N_POINTS = 4
SHAPES_PY = [(64, 64), (32, 32), (16, 16), (8, 8)]
LEN_IN = sum(h * w for h, w in SHAPES_PY)
LSI = [0]
for _h, _w in SHAPES_PY[:-1]:
    LSI.append(LSI[-1] + _h * _w)

BT = 680
BT2 = 512
BQ = 512
LQ_PAD = 5632
NCHUNK = 32


def _consts():
    M, P = N_HEADS, N_POINTS
    sel_rp = np.zeros((256, 8), np.float32)
    wh256 = np.zeros((256, 1), np.float32)
    for u in range(256):
        comp, rem = divmod(u, 128)
        m, lp = divmod(rem, 16)
        l = lp // P
        sel_rp[u, l * 2 + comp] = 1.0
        wh256[u, 0] = float(SHAPES_PY[l][1] if comp == 0 else SHAPES_PY[l][0])
    wv = np.zeros((128, 1), np.float32)
    hv = np.zeros((128, 1), np.float32)
    lsiv = np.zeros((128, 1), np.float32)
    for r in range(128):
        l = (r % 16) // P
        wv[r, 0] = float(SHAPES_PY[l][1])
        hv[r, 0] = float(SHAPES_PY[l][0])
        lsiv[r, 0] = float(LSI[l])
    bd = np.kron(np.eye(N_HEADS, dtype=np.float32), np.ones((16, 16), np.float32))
    return tuple(jnp.asarray(a) for a in (sel_rp, wh256, wv, hv, lsiv, bd))


def _off_perm():
    perm = []
    for comp in range(2):
        for m in range(N_HEADS):
            for lp in range(16):
                perm.append(m * 32 + lp * 2 + comp)
    return np.asarray(perm, np.int64)


def _bf16_bits(x):
    b = jax.lax.bitcast_convert_type(x, jnp.int32)
    return (b + 0x7FFF + ((b >> 16) & 1)) >> 16


def _bf16_sbits(x):
    b = jax.lax.bitcast_convert_type(x, jnp.int32)
    return ((b + 0x7FFF + ((b >> 16) & 1)) >> 16) & 0xFFFF


def _prelude_body(qt_ref, xt_ref, rpt_ref, wo_ref, bo_ref, wa_ref, ba_ref,
                  wve_ref, bve_ref, wvo_ref, bvo_ref,
                  selrp_ref, wh_ref, wv_ref, hv_ref, lsi_ref, bd_ref,
                  iw_ref, val_ref):
    qt = qt_ref[0]
    xt = xt_ref[0]
    rpt = rpt_ref[0]
    dot = lambda a, b: jnp.dot(a, b, preferred_element_type=jnp.float32)

    vlo = dot(wve_ref[...], xt) + bve_ref[...]
    vhi = dot(wvo_ref[...], xt) + bvo_ref[...]
    val_ref[0] = _bf16_sbits(vlo) | (_bf16_sbits(vhi) << 16)

    offt = dot(wo_ref[...], qt) + bo_ref[...]
    z = dot(wa_ref[...], qt) + ba_ref[...]
    e = jnp.exp(z)
    av = e / dot(bd_ref[...], e)

    rpx = jnp.dot(selrp_ref[...], rpt, preferred_element_type=jnp.float32,
                  precision=jax.lax.Precision.HIGHEST)
    g = rpx * wh_ref[...] + offt - 0.5
    gx = g[:128]
    gy = g[128:]

    wl = wv_ref[...]
    hl = hv_ref[...]
    x0 = jnp.floor(gx)
    y0 = jnp.floor(gy)
    fx = gx - x0
    fy = gy - y0
    wx1 = fx
    wx0 = 1.0 - fx
    wy1 = fy
    wy0 = 1.0 - fy
    for c4, (dy, dx) in enumerate(((0., 0.), (0., 1.), (1., 0.), (1., 1.))):
        xf = x0 + dx
        yf = y0 + dy
        wx = wx1 if dx else wx0
        wy = wy1 if dy else wy0
        valid = ((xf >= 0.0) & (xf <= wl - 1.0) & (yf >= 0.0)
                 & (yf <= hl - 1.0)).astype(jnp.float32)
        xi = jnp.clip(xf, 0.0, wl - 1.0)
        yi = jnp.clip(yf, 0.0, hl - 1.0)
        rows = (lsi_ref[...] + yi * wl + xi).astype(jnp.int32)
        w = av * wx * wy * valid
        iw_ref[0, c4 * 128:(c4 + 1) * 128] = (rows << 16) | _bf16_bits(w)


def _tc_prelude(qt, xt, rpt, W_off, b_off, W_attn, b_attn, W_val, b_val):
    N = qt.shape[0]
    consts = _consts()
    grid = (N, LQ_PAD // BT2)
    full = lambda shape: pl.BlockSpec(shape, lambda n, i: (0,) * len(shape))
    blk = lambda r: pl.BlockSpec((1, r, BT2), lambda n, i: (n, 0, i))
    col = lambda v: v.reshape(-1, 1)
    return pl.pallas_call(
        _prelude_body,
        grid=grid,
        in_specs=[
            blk(256), blk(256), blk(8),
            full((256, 256)), full((256, 1)),
            full((128, 256)), full((128, 1)),
            full((128, 256)), full((128, 1)),
            full((128, 256)), full((128, 1)),
            full((256, 8)), full((256, 1)),
            full((128, 1)), full((128, 1)), full((128, 1)),
            full((128, 128)),
        ],
        out_specs=[blk(512), blk(128)],
        out_shape=[
            jax.ShapeDtypeStruct((N, 512, LQ_PAD), jnp.int32),
            jax.ShapeDtypeStruct((N, 128, LQ_PAD), jnp.int32),
        ],
    )(qt, xt, rpt,
      W_off[:, _off_perm()].T, col(b_off[_off_perm()]),
      W_attn.T, col(b_attn),
      W_val[:, 0::2].T, col(b_val[0::2]), W_val[:, 1::2].T, col(b_val[1::2]),
      *consts)


def _proj_body(x_ref, w_ref, b_ref, o_ref):
    o_ref[0] = jnp.dot(x_ref[0], w_ref[...],
                       preferred_element_type=jnp.float32) + b_ref[...]


def _tc_out_proj(x, W_out, b_out):
    N, Lq, C = x.shape
    grid = (N, Lq // BT)
    return pl.pallas_call(
        _proj_body,
        grid=grid,
        in_specs=[
            pl.BlockSpec((1, BT, C), lambda n, i: (n, i, 0)),
            pl.BlockSpec((C, C), lambda n, i: (0, 0)),
            pl.BlockSpec((1, C), lambda n, i: (0, 0)),
        ],
        out_specs=pl.BlockSpec((1, BT, C), lambda n, i: (n, i, 0)),
        out_shape=jax.ShapeDtypeStruct((N, Lq, C), jnp.float32),
    )(x, W_out, b_out.reshape(1, -1))


def _sc_sample(val_t, iw_t):
    N = val_t.shape[0]
    nblk = LQ_PAD // BQ
    mesh = plsc.VectorSubcoreMesh(core_axis_name="c", subcore_axis_name="s")

    @functools.partial(
        pl.kernel,
        out_type=jax.ShapeDtypeStruct((NCHUNK, 16, LQ_PAD), jnp.float32),
        mesh=mesh,
        compiler_params=pltpu.CompilerParams(needs_layout_passes=False),
        scratch_types=[
            pltpu.VMEM((8 * LQ_PAD,), jnp.int32),
            pltpu.VMEM((64, BQ), jnp.int32),
            pltpu.VMEM((16, BQ), jnp.float32),
        ],
    )
    def sc_kernel(val_hbm, iw_hbm, out_hbm, tbl, iwb, outb):
        wid = lax.axis_index("s") * 2 + lax.axis_index("c")
        n = wid // 16
        cg = wid % 16
        m = cg // 2

        for p in range(8):
            pltpu.sync_copy(val_hbm.at[n, cg * 8 + p],
                            tbl.at[pl.ds(p * LQ_PAD, LQ_PAD)])

        def qb_body(qb, _):
            base = qb * BQ
            for c4 in range(4):
                start = pl.multiple_of(c4 * 128 + m * 16, 8)
                pltpu.sync_copy(
                    iw_hbm.at[n, pl.ds(start, 16), pl.ds(base, BQ)],
                    iwb.at[pl.ds(c4 * 16, 16), :])

            def g_body(g, _):
                def one(j, accs):
                    iwv = iwb[j, pl.ds(g * 16, 16)]
                    idxv = iwv >> 16
                    wv = plsc.bitcast(iwv << 16, jnp.float32)
                    new = []
                    for p in range(8):
                        vi = plsc.load_gather(
                            tbl.at[pl.ds(p * LQ_PAD, LQ_PAD)], [idxv])
                        lo = plsc.bitcast(vi << 16, jnp.float32)
                        hi = plsc.bitcast(vi, jnp.float32)
                        new.append(accs[2 * p] + wv * lo)
                        new.append(accs[2 * p + 1] + wv * hi)
                    return tuple(new)

                def j_body(j2, accs):
                    return one(j2 + j2 + 1, one(j2 + j2, accs))

                accs = lax.fori_loop(
                    0, 32, j_body,
                    tuple(jnp.zeros((16,), jnp.float32) for _ in range(16)))
                for cc in range(16):
                    outb[cc, pl.ds(g * 16, 16)] = accs[cc]
                return 0

            lax.fori_loop(0, BQ // 16, g_body, 0)
            pltpu.sync_copy(outb, out_hbm.at[wid, :, pl.ds(base, BQ)])
            return 0

        lax.fori_loop(0, nblk, qb_body, 0)

    return sc_kernel(val_t, iw_t)


def kernel(query, reference_points, input_flatten, input_spatial_shapes,
           input_level_start_index, W_val, b_val, W_off, b_off,
           W_attn, b_attn, W_out, b_out):
    N, Lq, C = query.shape
    pad = ((0, 0), (0, 0), (0, LQ_PAD - Lq))
    qt = jnp.pad(query.transpose(0, 2, 1), pad)
    xt = jnp.pad(input_flatten.transpose(0, 2, 1), pad)
    rpt = jnp.pad(reference_points.reshape(N, Lq, 8).transpose(0, 2, 1), pad)
    iw_t, val_t = _tc_prelude(qt, xt, rpt, W_off, b_off, W_attn, b_attn,
                              W_val, b_val)
    out_t = _sc_sample(val_t, iw_t)
    sampled = out_t.reshape(N, 16, 16, LQ_PAD).transpose(0, 3, 1, 2)
    sampled = sampled.reshape(N, LQ_PAD, C)[:, :Lq]
    return _tc_out_proj(sampled, W_out, b_out)

# --- scband reference (transcript-rebuilt; emitter-appended) ---
"""Pipeline reference for scband-multi-scale-deformable-attention-20650202759485 (READ-ONLY COPY).

The authoritative reference and input builder live on the scoring server;
editing this copy changes nothing except your own understanding.
"""

import jax, jax.numpy as jnp
import numpy as np

D_MODEL = 256
N_LEVELS = 4
N_HEADS = 8
N_POINTS = 4
SHAPES = [(64, 64), (32, 32), (16, 16), (8, 8)]


def bilinear_sample(img, grid):
    # img: [B, D, H, W]; grid: [B, Hg, Wg, 2] in [-1, 1]
    # torch F.grid_sample(mode='bilinear', padding_mode='zeros', align_corners=False)
    B, D, H, W = img.shape
    gx = (grid[..., 0] + 1.0) * W / 2.0 - 0.5
    gy = (grid[..., 1] + 1.0) * H / 2.0 - 0.5
    x0 = jnp.floor(gx)
    y0 = jnp.floor(gy)
    wx1 = gx - x0
    wx0 = 1.0 - wx1
    wy1 = gy - y0
    wy0 = 1.0 - wy1
    flat = img.reshape(B, D, H * W)

    def gather(xf, yf):
        valid = ((xf >= 0) & (xf <= W - 1) & (yf >= 0) & (yf <= H - 1)).astype(img.dtype)
        xi = jnp.clip(xf, 0, W - 1).astype(jnp.int32)
        yi = jnp.clip(yf, 0, H - 1).astype(jnp.int32)
        idx = (yi * W + xi).reshape(B, 1, -1)
        vals = jnp.take_along_axis(flat, idx, axis=2).reshape(B, D, xf.shape[1], xf.shape[2])
        return vals * valid[:, None, :, :]

    return (gather(x0, y0) * (wx0 * wy0)[:, None]
            + gather(x0 + 1.0, y0) * (wx1 * wy0)[:, None]
            + gather(x0, y0 + 1.0) * (wx0 * wy1)[:, None]
            + gather(x0 + 1.0, y0 + 1.0) * (wx1 * wy1)[:, None])


def setup_inputs(seed: int = 0) -> dict:
    key = jax.random.key(seed)
    ks = jax.random.split(key, 10)
    N, Lq, C = 2, 5440, D_MODEL
    shapes = np.array(SHAPES, dtype=np.int64)
    areas = shapes[:, 0] * shapes[:, 1]
    Len_in = int(areas.sum())
    lsi = np.concatenate([[0], np.cumsum(areas)[:-1]]).astype(np.int64)
    MLP2 = N_HEADS * N_LEVELS * N_POINTS * 2
    MLP = N_HEADS * N_LEVELS * N_POINTS
    return {
        "query": jax.random.normal(ks[0], (N, Lq, C), jnp.float32),
        "reference_points": jax.random.uniform(ks[1], (N, Lq, N_LEVELS, 2), dtype=jnp.float32),
        "input_flatten": jax.random.normal(ks[2], (N, Len_in, C), jnp.float32),
        "input_spatial_shapes": jnp.asarray(shapes),
        "input_level_start_index": jnp.asarray(lsi),
        "W_val": jax.random.normal(ks[3], (C, C), jnp.float32) * 0.02,
        "b_val": jnp.zeros((C,), jnp.float32),
        "W_off": jax.random.normal(ks[4], (C, MLP2), jnp.float32) * 0.01,
        "b_off": jax.random.normal(ks[5], (MLP2,), jnp.float32) * 0.5,
        "W_attn": jax.random.normal(ks[6], (C, MLP), jnp.float32) * 0.02,
        "b_attn": jnp.zeros((MLP,), jnp.float32),
        "W_out": jax.random.normal(ks[7], (C, C), jnp.float32) * 0.02,
        "b_out": jnp.zeros((C,), jnp.float32),
    }


def reference(query, reference_points, input_flatten, input_spatial_shapes,
              input_level_start_index, W_val, b_val, W_off, b_off,
              W_attn, b_attn, W_out, b_out):
    N, Lq, C = query.shape
    M, L, P = N_HEADS, N_LEVELS, N_POINTS
    D = C // M
    shapes_py = SHAPES
    value = input_flatten @ W_val + b_val
    Len_in = value.shape[1]
    value = value.reshape(N, Len_in, M, D)
    off = (query @ W_off + b_off).reshape(N, Lq, M, L, P, 2)
    attn = jax.nn.softmax((query @ W_attn + b_attn).reshape(N, Lq, M, L * P), axis=-1)
    attn = attn.reshape(N, Lq, M, L, P)
    normalizer = jnp.stack([input_spatial_shapes[:, 1], input_spatial_shapes[:, 0]], -1).astype(jnp.float32)
    loc = reference_points[:, :, None, :, None, :] + off / normalizer[None, None, None, :, None, :]
    grids = 2.0 * loc - 1.0  # [N, Lq, M, L, P, 2]
    sampled = []
    start = 0
    for lid, (H, W) in enumerate(shapes_py):
        v = value[:, start:start + H * W]
        start += H * W
        v = v.transpose(0, 2, 3, 1).reshape(N * M, D, H, W)
        g = grids[:, :, :, lid].transpose(0, 2, 1, 3, 4).reshape(N * M, Lq, P, 2)
        sampled.append(bilinear_sample(v, g))  # [N*M, D, Lq, P]
    stacked = jnp.stack(sampled, axis=-2).reshape(N * M, D, Lq, L * P)
    aw = attn.transpose(0, 2, 1, 3, 4).reshape(N * M, 1, Lq, L * P)
    out = (stacked * aw).sum(-1).reshape(N, M * D, Lq).transpose(0, 2, 1)
    return out @ W_out + b_out

if __name__ == "__main__":
    import jax
    _d = setup_inputs()
    print(jax.jit(kernel)(*tuple(_d.values())))

</pallas_src>

<mosaic_0001>
#map = affine_map<(d0, d1) -> (0, 0, 0)>
module attributes {stable_mosaic.version = 14 : i64} {
  func.func @sc_kernel(%arg0: i32, %arg1: i32, %arg2: memref<2x128x5632xi32, #tpu.memory_space<hbm>>, %arg3: memref<2x512x5632xi32, #tpu.memory_space<hbm>>, %arg4: memref<32x16x5632xf32, #tpu.memory_space<hbm>>, %arg5: memref<45056xi32, #tpu.memory_space<vmem>>, %arg6: memref<64x512xi32, #tpu.memory_space<vmem>>, %arg7: memref<16x512xf32, #tpu.memory_space<vmem>>) attributes {dimension_semantics = [#tpu.dimension_semantics<core_parallel>, #tpu.dimension_semantics<subcore_parallel>], iteration_bounds = array<i64: 2, 16>, scalar_prefetch = 0 : i64, scratch_operands = 3 : i64, tpu.core_type = #tpu.core_type<sc_vector_subcore>, window_params = [{transform_indices = #map}, {transform_indices = #map}, {transform_indices = #map}]} {
    %mul3A = arith.constant 2 : i32
    %mul3A_0 = arith.muli %arg1, %mul3A : i32
    %add3A = arith.addi %mul3A_0, %arg0 : i32
    %jit3A = arith.constant 16 : i32
    %div3A = arith.divsi %add3A, %jit3A : i32
    %sign3A = arith.constant 0 : i32
    %sign3A_1 = arith.cmpi sgt, %add3A, %sign3A : i32
    %sign3A_2 = arith.extui %sign3A_1 : i1 to i32
    %sign3A_3 = arith.constant 0 : i32
    %sign3A_4 = arith.cmpi slt, %add3A, %sign3A_3 : i32
    %sign3A_5 = arith.extui %sign3A_4 : i1 to i32
    %sign3A_6 = arith.subi %sign3A_2, %sign3A_5 : i32
    %sign3A_7 = arith.constant 0 : i32
    %sign3A_8 = arith.cmpi sgt, %jit3A, %sign3A_7 : i32
    %sign3A_9 = arith.extui %sign3A_8 : i1 to i32
    %sign3A_10 = arith.constant 0 : i32
    %sign3A_11 = arith.cmpi slt, %jit3A, %sign3A_10 : i32
    %sign3A_12 = arith.extui %sign3A_11 : i1 to i32
    %sign3A_13 = arith.subi %sign3A_9, %sign3A_12 : i32
    %ne3A = arith.cmpi ne, %sign3A_6, %sign3A_13 : i32
    %rem3A = arith.remsi %add3A, %jit3A : i32
    %ne3A_14 = arith.constant 0 : i32
    %ne3A_15 = arith.cmpi ne, %rem3A, %ne3A_14 : i32
    %and3A = arith.andi %ne3A, %ne3A_15 : i1
    %sub3A = arith.constant 1 : i32
    %sub3A_16 = arith.subi %div3A, %sub3A : i32
    %select_n3A = arith.select %and3A, %sub3A_16, %div3A : i32
    %jit3A_17 = arith.constant 16 : i32
    %eq3A = arith.constant 0 : i32
    %eq3A_18 = arith.cmpi eq, %jit3A_17, %eq3A : i32
    %jit3A_19 = arith.constant 1 : i32
    %select_n3A_20 = arith.select %eq3A_18, %jit3A_19, %jit3A_17 : i32
    %rem3A_21 = arith.remsi %add3A, %select_n3A_20 : i32
    %ne3A_22 = arith.constant 0 : i32
    %ne3A_23 = arith.cmpi ne, %rem3A_21, %ne3A_22 : i32
    %lt3A = arith.constant 0 : i32
    %lt3A_24 = arith.cmpi slt, %rem3A_21, %lt3A : i32
    %lt3A_25 = arith.constant 0 : i32
    %lt3A_26 = arith.cmpi slt, %select_n3A_20, %lt3A_25 : i32
    %ne3A_27 = arith.xori %lt3A_24, %lt3A_26 : i1
    %and3A_28 = arith.andi %ne3A_27, %ne3A_23 : i1
    %add3A_29 = arith.addi %rem3A_21, %select_n3A_20 : i32
    %select_n3A_30 = arith.select %and3A_28, %add3A_29, %rem3A_21 : i32
    %jit3A_31 = arith.constant 2 : i32
    %div3A_32 = arith.divsi %select_n3A_30, %jit3A_31 : i32
    %sign3A_33 = arith.constant 0 : i32
    %sign3A_34 = arith.cmpi sgt, %select_n3A_30, %sign3A_33 : i32
    %sign3A_35 = arith.extui %sign3A_34 : i1 to i32
    %sign3A_36 = arith.constant 0 : i32
    %sign3A_37 = arith.cmpi slt, %select_n3A_30, %sign3A_36 : i32
    %sign3A_38 = arith.extui %sign3A_37 : i1 to i32
    %sign3A_39 = arith.subi %sign3A_35, %sign3A_38 : i32
    %sign3A_40 = arith.constant 0 : i32
    %sign3A_41 = arith.cmpi sgt, %jit3A_31, %sign3A_40 : i32
    %sign3A_42 = arith.extui %sign3A_41 : i1 to i32
    %sign3A_43 = arith.constant 0 : i32
    %sign3A_44 = arith.cmpi slt, %jit3A_31, %sign3A_43 : i32
    %sign3A_45 = arith.extui %sign3A_44 : i1 to i32
    %sign3A_46 = arith.subi %sign3A_42, %sign3A_45 : i32
    %ne3A_47 = arith.cmpi ne, %sign3A_39, %sign3A_46 : i32
    %rem3A_48 = arith.remsi %select_n3A_30, %jit3A_31 : i32
    %ne3A_49 = arith.constant 0 : i32
    %ne3A_50 = arith.cmpi ne, %rem3A_48, %ne3A_49 : i32
    %and3A_51 = arith.andi %ne3A_47, %ne3A_50 : i1
    %sub3A_52 = arith.constant 1 : i32
    %sub3A_53 = arith.subi %div3A_32, %sub3A_52 : i32
    %select_n3A_54 = arith.select %and3A_51, %sub3A_53, %div3A_32 : i32
    %mul3A_55 = arith.constant 8 : i32
    %mul3A_56 = arith.muli %select_n3A_30, %mul3A_55 : i32
    %add3A_57 = arith.constant 0 : i32
    %add3A_58 = arith.addi %mul3A_56, %add3A_57 : i32
    "tpu.region"() ({
      %run_scoped3A = tpu.sem_alloc : memref<!tpu.dma_semaphore, #tpu.memory_space<semaphore_mem>>
      %dma_start3A = arith.constant 0 : i32
      %dma_start3A_93 = tpu.memref_slice %arg5[%dma_start3A] : memref<45056xi32, #tpu.memory_space<vmem>> -> memref<5632xi32, #tpu.memory_space<vmem>>
      %dma_start3A_94 = arith.constant 0 : i32
      %dma_start3A_95 = tpu.memref_slice %arg2[%select_n3A, %add3A_58, %dma_start3A_94] : memref<2x128x5632xi32, #tpu.memory_space<hbm>> -> memref<1x1x5632xi32, #tpu.memory_space<hbm>>
      %dma_start3A_96 = tpu.memref_squeeze %dma_start3A_95 : memref<1x1x5632xi32, #tpu.memory_space<hbm>> -> memref<5632xi32, #tpu.memory_space<hbm>>
      %dma_start3A_97 = arith.constant 0 : i32
      %dma_start3A_98 = tpu.memref_slice %arg5[%dma_start3A_97] : memref<45056xi32, #tpu.memory_space<vmem>> -> memref<5632xi32, #tpu.memory_space<vmem>>
      %dma_start3A_99 = arith.constant 0 : i32
      %dma_start3A_100 = tpu.memref_slice %arg2[%select_n3A, %add3A_58, %dma_start3A_99] : memref<2x128x5632xi32, #tpu.memory_space<hbm>> -> memref<1x1x5632xi32, #tpu.memory_space<hbm>>
      %dma_start3A_101 = tpu.memref_squeeze %dma_start3A_100 : memref<1x1x5632xi32, #tpu.memory_space<hbm>> -> memref<5632xi32, #tpu.memory_space<hbm>>
      tpu.enqueue_dma source(%dma_start3A_101 : memref<5632xi32, #tpu.memory_space<hbm>>) target(%dma_start3A_98 : memref<5632xi32, #tpu.memory_space<vmem>>) target_semaphore(%run_scoped3A : memref<!tpu.dma_semaphore, #tpu.memory_space<semaphore_mem>>)
      %dma_wait3A = arith.constant 0 : i32
      %dma_wait3A_102 = tpu.memref_slice %arg5[%dma_wait3A] : memref<45056xi32, #tpu.memory_space<vmem>> -> memref<5632xi32, #tpu.memory_space<vmem>>
      %dma_wait3A_103 = arith.constant 0 : i32
      %dma_wait3A_104 = tpu.memref_slice %arg2[%select_n3A, %add3A_58, %dma_wait3A_103] : memref<2x128x5632xi32, #tpu.memory_space<hbm>> -> memref<1x1x5632xi32, #tpu.memory_space<hbm>>
      %dma_wait3A_105 = tpu.memref_squeeze %dma_wait3A_104 : memref<1x1x5632xi32, #tpu.memory_space<hbm>> -> memref<5632xi32, #tpu.memory_space<hbm>>
      %dma_wait3A_106 = arith.constant 0 : i32
      %dma_wait3A_107 = tpu.memref_slice %arg5[%dma_wait3A_106] : memref<45056xi32, #tpu.memory_space<vmem>> -> memref<5632xi32, #tpu.memory_space<vmem>>
      %dma_wait3A_108 = arith.constant 0 : i32
      %dma_wait3A_109 = tpu.memref_slice %arg2[%select_n3A, %add3A_58, %dma_wait3A_108] : memref<2x128x5632xi32, #tpu.memory_space<hbm>> -> memref<1x1x5632xi32, #tpu.memory_space<hbm>>
      %dma_wait3A_110 = tpu.memref_squeeze %dma_wait3A_109 : memref<1x1x5632xi32, #tpu.memory_space<hbm>> -> memref<5632xi32, #tpu.memory_space<hbm>>
      tpu.wait_dma2 semaphore(%run_scoped3A : memref<!tpu.dma_semaphore, #tpu.memory_space<semaphore_mem>>) src(%dma_wait3A_110 : memref<5632xi32, #tpu.memory_space<hbm>>) dst(%dma_wait3A_107 : memref<5632xi32, #tpu.memory_space<vmem>>)
      tpu.yield
    }) : () -> ()
    %mul3A_59 = arith.constant 8 : i32
    %mul3A_60 = arith.muli %select_n3A_30, %mul3A_59 : i32
    %add3A_61 = arith.constant 1 : i32
    %add3A_62 = arith.addi %mul3A_60, %add3A_61 : i32
    "tpu.region"() ({
      %run_scoped3A = tpu.sem_alloc : memref<!tpu.dma_semaphore, #tpu.memory_space<semaphore_mem>>
      %dma_start3A = arith.constant 5632 : i32
      %dma_start3A_93 = tpu.memref_slice %arg5[%dma_start3A] : memref<45056xi32, #tpu.memory_space<vmem>> -> memref<5632xi32, #tpu.memory_space<vmem>>
      %dma_start3A_94 = arith.constant 0 : i32
      %dma_start3A_95 = tpu.memref_slice %arg2[%select_n3A, %add3A_62, %dma_start3A_94] : memref<2x128x5632xi32, #tpu.memory_space<hbm>> -> memref<1x1x5632xi32, #tpu.memory_space<hbm>>
      %dma_start3A_96 = tpu.memref_squeeze %dma_start3A_95 : memref<1x1x5632xi32, #tpu.memory_space<hbm>> -> memref<5632xi32, #tpu.memory_space<hbm>>
      %dma_start3A_97 = arith.constant 5632 : i32
      %dma_start3A_98 = tpu.memref_slice %arg5[%dma_start3A_97] : memref<45056xi32, #tpu.memory_space<vmem>> -> memref<5632xi32, #tpu.memory_space<vmem>>
      %dma_start3A_99 = arith.constant 0 : i32
      %dma_start3A_100 = tpu.memref_slice %arg2[%select_n3A, %add3A_62, %dma_start3A_99] : memref<2x128x5632xi32, #tpu.memory_space<hbm>> -> memref<1x1x5632xi32, #tpu.memory_space<hbm>>
      %dma_start3A_101 = tpu.memref_squeeze %dma_start3A_100 : memref<1x1x5632xi32, #tpu.memory_space<hbm>> -> memref<5632xi32, #tpu.memory_space<hbm>>
      tpu.enqueue_dma source(%dma_start3A_101 : memref<5632xi32, #tpu.memory_space<hbm>>) target(%dma_start3A_98 : memref<5632xi32, #tpu.memory_space<vmem>>) target_semaphore(%run_scoped3A : memref<!tpu.dma_semaphore, #tpu.memory_space<semaphore_mem>>)
      %dma_wait3A = arith.constant 5632 : i32
      %dma_wait3A_102 = tpu.memref_slice %arg5[%dma_wait3A] : memref<45056xi32, #tpu.memory_space<vmem>> -> memref<5632xi32, #tpu.memory_space<vmem>>
      %dma_wait3A_103 = arith.constant 0 : i32
      %dma_wait3A_104 = tpu.memref_slice %arg2[%select_n3A, %add3A_62, %dma_wait3A_103] : memref<2x128x5632xi32, #tpu.memory_space<hbm>> -> memref<1x1x5632xi32, #tpu.memory_space<hbm>>
      %dma_wait3A_105 = tpu.memref_squeeze %dma_wait3A_104 : memref<1x1x5632xi32, #tpu.memory_space<hbm>> -> memref<5632xi32, #tpu.memory_space<hbm>>
      %dma_wait3A_106 = arith.constant 5632 : i32
      %dma_wait3A_107 = tpu.memref_slice %arg5[%dma_wait3A_106] : memref<45056xi32, #tpu.memory_space<vmem>> -> memref<5632xi32, #tpu.memory_space<vmem>>
      %dma_wait3A_108 = arith.constant 0 : i32
      %dma_wait3A_109 = tpu.memref_slice %arg2[%select_n3A, %add3A_62, %dma_wait3A_108] : memref<2x128x5632xi32, #tpu.memory_space<hbm>> -> memref<1x1x5632xi32, #tpu.memory_space<hbm>>
      %dma_wait3A_110 = tpu.memref_squeeze %dma_wait3A_109 : memref<1x1x5632xi32, #tpu.memory_space<hbm>> -> memref<5632xi32, #tpu.memory_space<hbm>>
      tpu.wait_dma2 semaphore(%run_scoped3A : memref<!tpu.dma_semaphore, #tpu.memory_space<semaphore_mem>>) src(%dma_wait3A_110 : memref<5632xi32, #tpu.memory_space<hbm>>) dst(%dma_wait3A_107 : memref<5632xi32, #tpu.memory_space<vmem>>)
      tpu.yield
    }) : () -> ()
    %mul3A_63 = arith.constant 8 : i32
    %mul3A_64 = arith.muli %select_n3A_30, %mul3A_63 : i32
    %add3A_65 = arith.constant 2 : i32
    %add3A_66 = arith.addi %mul3A_64, %add3A_65 : i32
    "tpu.region"() ({
      %run_scoped3A = tpu.sem_alloc : memref<!tpu.dma_semaphore, #tpu.memory_space<semaphore_mem>>
      %dma_start3A = arith.constant 11264 : i32
      %dma_start3A_93 = tpu.memref_slice %arg5[%dma_start3A] : memref<45056xi32, #tpu.memory_space<vmem>> -> memref<5632xi32, #tpu.memory_space<vmem>>
      %dma_start3A_94 = arith.constant 0 : i32
      %dma_start3A_95 = tpu.memref_slice %arg2[%select_n3A, %add3A_66, %dma_start3A_94] : memref<2x128x5632xi32, #tpu.memory_space<hbm>> -> memref<1x1x5632xi32, #tpu.memory_space<hbm>>
      %dma_start3A_96 = tpu.memref_squeeze %dma_start3A_95 : memref<1x1x5632xi32, #tpu.memory_space<hbm>> -> memref<5632xi32, #tpu.memory_space<hbm>>
      %dma_start3A_97 = arith.constant 11264 : i32
      %dma_start3A_98 = tpu.memref_slice %arg5[%dma_start3A_97] : memref<45056xi32, #tpu.memory_space<vmem>> -> memref<5632xi32, #tpu.memory_space<vmem>>
      %dma_start3A_99 = arith.constant 0 : i32
      %dma_start3A_100 = tpu.memref_slice %arg2[%select_n3A, %add3A_66, %dma_start3A_99] : memref<2x128x5632xi32, #tpu.memory_space<hbm>> -> memref<1x1x5632xi32, #tpu.memory_space<hbm>>
      %dma_start3A_101 = tpu.memref_squeeze %dma_start3A_100 : memref<1x1x5632xi32, #tpu.memory_space<hbm>> -> memref<5632xi32, #tpu.memory_space<hbm>>
      tpu.enqueue_dma source(%dma_start3A_101 : memref<5632xi32, #tpu.memory_space<hbm>>) target(%dma_start3A_98 : memref<5632xi32, #tpu.memory_space<vmem>>) target_semaphore(%run_scoped3A : memref<!tpu.dma_semaphore, #tpu.memory_space<semaphore_mem>>)
      %dma_wait3A = arith.constant 11264 : i32
      %dma_wait3A_102 = tpu.memref_slice %arg5[%dma_wait3A] : memref<45056xi32, #tpu.memory_space<vmem>> -> memref<5632xi32, #tpu.memory_space<vmem>>
      %dma_wait3A_103 = arith.constant 0 : i32
      %dma_wait3A_104 = tpu.memref_slice %arg2[%select_n3A, %add3A_66, %dma_wait3A_103] : memref<2x128x5632xi32, #tpu.memory_space<hbm>> -> memref<1x1x5632xi32, #tpu.memory_space<hbm>>
      %dma_wait3A_105 = tpu.memref_squeeze %dma_wait3A_104 : memref<1x1x5632xi32, #tpu.memory_space<hbm>> -> memref<5632xi32, #tpu.memory_space<hbm>>
      %dma_wait3A_106 = arith.constant 11264 : i32
      %dma_wait3A_107 = tpu.memref_slice %arg5[%dma_wait3A_106] : memref<45056xi32, #tpu.memory_space<vmem>> -> memref<5632xi32, #tpu.memory_space<vmem>>
      %dma_wait3A_108 = arith.constant 0 : i32
      %dma_wait3A_109 = tpu.memref_slice %arg2[%select_n3A, %add3A_66, %dma_wait3A_108] : memref<2x128x5632xi32, #tpu.memory_space<hbm>> -> memref<1x1x5632xi32, #tpu.memory_space<hbm>>
      %dma_wait3A_110 = tpu.memref_squeeze %dma_wait3A_109 : memref<1x1x5632xi32, #tpu.memory_space<hbm>> -> memref<5632xi32, #tpu.memory_space<hbm>>
      tpu.wait_dma2 semaphore(%run_scoped3A : memref<!tpu.dma_semaphore, #tpu.memory_space<semaphore_mem>>) src(%dma_wait3A_110 : memref<5632xi32, #tpu.memory_space<hbm>>) dst(%dma_wait3A_107 : memref<5632xi32, #tpu.memory_space<vmem>>)
      tpu.yield
    }) : () -> ()
    %mul3A_67 = arith.constant 8 : i32
    %mul3A_68 = arith.muli %select_n3A_30, %mul3A_67 : i32
    %add3A_69 = arith.constant 3 : i32
    %add3A_70 = arith.addi %mul3A_68, %add3A_69 : i32
    "tpu.region"() ({
      %run_scoped3A = tpu.sem_alloc : memref<!tpu.dma_semaphore, #tpu.memory_space<semaphore_mem>>
      %dma_start3A = arith.constant 16896 : i32
      %dma_start3A_93 = tpu.memref_slice %arg5[%dma_start3A] : memref<45056xi32, #tpu.memory_space<vmem>> -> memref<5632xi32, #tpu.memory_space<vmem>>
      %dma_start3A_94 = arith.constant 0 : i32
      %dma_start3A_95 = tpu.memref_slice %arg2[%select_n3A, %add3A_70, %dma_start3A_94] : memref<2x128x5632xi32, #tpu.memory_space<hbm>> -> memref<1x1x5632xi32, #tpu.memory_space<hbm>>
      %dma_start3A_96 = tpu.memref_squeeze %dma_start3A_95 : memref<1x1x5632xi32, #tpu.memory_space<hbm>> -> memref<5632xi32, #tpu.memory_space<hbm>>
      %dma_start3A_97 = arith.constant 16896 : i32
      %dma_start3A_98 = tpu.memref_slice %arg5[%dma_start3A_97] : memref<45056xi32, #tpu.memory_space<vmem>> -> memref<5632xi32, #tpu.memory_space<vmem>>
      %dma_start3A_99 = arith.constant 0 : i32
      %dma_start3A_100 = tpu.memref_slice %arg2[%select_n3A, %add3A_70, %dma_start3A_99] : memref<2x128x5632xi32, #tpu.memory_space<hbm>> -> memref<1x1x5632xi32, #tpu.memory_space<hbm>>
      %dma_start3A_101 = tpu.memref_squeeze %dma_start3A_100 : memref<1x1x5632xi32, #tpu.memory_space<hbm>> -> memref<5632xi32, #tpu.memory_space<hbm>>
      tpu.enqueue_dma source(%dma_start3A_101 : memref<5632xi32, #tpu.memory_space<hbm>>) target(%dma_start3A_98 : memref<5632xi32, #tpu.memory_space<vmem>>) target_semaphore(%run_scoped3A : memref<!tpu.dma_semaphore, #tpu.memory_space<semaphore_mem>>)
      %dma_wait3A = arith.constant 16896 : i32
      %dma_wait3A_102 = tpu.memref_slice %arg5[%dma_wait3A] : memref<45056xi32, #tpu.memory_space<vmem>> -> memref<5632xi32, #tpu.memory_space<vmem>>
      %dma_wait3A_103 = arith.constant 0 : i32
      %dma_wait3A_104 = tpu.memref_slice %arg2[%select_n3A, %add3A_70, %dma_wait3A_103] : memref<2x128x5632xi32, #tpu.memory_space<hbm>> -> memref<1x1x5632xi32, #tpu.memory_space<hbm>>
      %dma_wait3A_105 = tpu.memref_squeeze %dma_wait3A_104 : memref<1x1x5632xi32, #tpu.memory_space<hbm>> -> memref<5632xi32, #tpu.memory_space<hbm>>
      %dma_wait3A_106 = arith.constant 16896 : i32
      %dma_wait3A_107 = tpu.memref_slice %arg5[%dma_wait3A_106] : memref<45056xi32, #tpu.memory_space<vmem>> -> memref<5632xi32, #tpu.memory_space<vmem>>
      %dma_wait3A_108 = arith.constant 0 : i32
      %dma_wait3A_109 = tpu.memref_slice %arg2[%select_n3A, %add3A_70, %dma_wait3A_108] : memref<2x128x5632xi32, #tpu.memory_space<hbm>> -> memref<1x1x5632xi32, #tpu.memory_space<hbm>>
      %dma_wait3A_110 = tpu.memref_squeeze %dma_wait3A_109 : memref<1x1x5632xi32, #tpu.memory_space<hbm>> -> memref<5632xi32, #tpu.memory_space<hbm>>
      tpu.wait_dma2 semaphore(%run_scoped3A : memref<!tpu.dma_semaphore, #tpu.memory_space<semaphore_mem>>) src(%dma_wait3A_110 : memref<5632xi32, #tpu.memory_space<hbm>>) dst(%dma_wait3A_107 : memref<5632xi32, #tpu.memory_space<vmem>>)
      tpu.yield
    }) : () -> ()
    %mul3A_71 = arith.constant 8 : i32
    %mul3A_72 = arith.muli %select_n3A_30, %mul3A_71 : i32
    %add3A_73 = arith.constant 4 : i32
    %add3A_74 = arith.addi %mul3A_72, %add3A_73 : i32
    "tpu.region"() ({
      %run_scoped3A = tpu.sem_alloc : memref<!tpu.dma_semaphore, #tpu.memory_space<semaphore_mem>>
      %dma_start3A = arith.constant 22528 : i32
      %dma_start3A_93 = tpu.memref_slice %arg5[%dma_start3A] : memref<45056xi32, #tpu.memory_space<vmem>> -> memref<5632xi32, #tpu.memory_space<vmem>>
      %dma_start3A_94 = arith.constant 0 : i32
      %dma_start3A_95 = tpu.memref_slice %arg2[%select_n3A, %add3A_74, %dma_start3A_94] : memref<2x128x5632xi32, #tpu.memory_space<hbm>> -> memref<1x1x5632xi32, #tpu.memory_space<hbm>>
      %dma_start3A_96 = tpu.memref_squeeze %dma_start3A_95 : memref<1x1x5632xi32, #tpu.memory_space<hbm>> -> memref<5632xi32, #tpu.memory_space<hbm>>
      %dma_start3A_97 = arith.constant 22528 : i32
      %dma_start3A_98 = tpu.memref_slice %arg5[%dma_start3A_97] : memref<45056xi32, #tpu.memory_space<vmem>> -> memref<5632xi32, #tpu.memory_space<vmem>>
      %dma_start3A_99 = arith.constant 0 : i32
      %dma_start3A_100 = tpu.memref_slice %arg2[%select_n3A, %add3A_74, %dma_start3A_99] : memref<2x128x5632xi32, #tpu.memory_space<hbm>> -> memref<1x1x5632xi32, #tpu.memory_space<hbm>>
      %dma_start3A_101 = tpu.memref_squeeze %dma_start3A_100 : memref<1x1x5632xi32, #tpu.memory_space<hbm>> -> memref<5632xi32, #tpu.memory_space<hbm>>
      tpu.enqueue_dma source(%dma_start3A_101 : memref<5632xi32, #tpu.memory_space<hbm>>) target(%dma_start3A_98 : memref<5632xi32, #tpu.memory_space<vmem>>) target_semaphore(%run_scoped3A : memref<!tpu.dma_semaphore, #tpu.memory_space<semaphore_mem>>)
      %dma_wait3A = arith.constant 22528 : i32
      %dma_wait3A_102 = tpu.memref_slice %arg5[%dma_wait3A] : memref<45056xi32, #tpu.memory_space<vmem>> -> memref<5632xi32, #tpu.memory_space<vmem>>
      %dma_wait3A_103 = arith.constant 0 : i32
      %dma_wait3A_104 = tpu.memref_slice %arg2[%select_n3A, %add3A_74, %dma_wait3A_103] : memref<2x128x5632xi32, #tpu.memory_space<hbm>> -> memref<1x1x5632xi32, #tpu.memory_space<hbm>>
      %dma_wait3A_105 = tpu.memref_squeeze %dma_wait3A_104 : memref<1x1x5632xi32, #tpu.memory_space<hbm>> -> memref<5632xi32, #tpu.memory_space<hbm>>
      %dma_wait3A_106 = arith.constant 22528 : i32
      %dma_wait3A_107 = tpu.memref_slice %arg5[%dma_wait3A_106] : memref<45056xi32, #tpu.memory_space<vmem>> -> memref<5632xi32, #tpu.memory_space<vmem>>
      %dma_wait3A_108 = arith.constant 0 : i32
      %dma_wait3A_109 = tpu.memref_slice %arg2[%select_n3A, %add3A_74, %dma_wait3A_108] : memref<2x128x5632xi32, #tpu.memory_space<hbm>> -> memref<1x1x5632xi32, #tpu.memory_space<hbm>>
      %dma_wait3A_110 = tpu.memref_squeeze %dma_wait3A_109 : memref<1x1x5632xi32, #tpu.memory_space<hbm>> -> memref<5632xi32, #tpu.memory_space<hbm>>
      tpu.wait_dma2 semaphore(%run_scoped3A : memref<!tpu.dma_semaphore, #tpu.memory_space<semaphore_mem>>) src(%dma_wait3A_110 : memref<5632xi32, #tpu.memory_space<hbm>>) dst(%dma_wait3A_107 : memref<5632xi32, #tpu.memory_space<vmem>>)
      tpu.yield
    }) : () -> ()
    %mul3A_75 = arith.constant 8 : i32
    %mul3A_76 = arith.muli %select_n3A_30, %mul3A_75 : i32
    %add3A_77 = arith.constant 5 : i32
    %add3A_78 = arith.addi %mul3A_76, %add3A_77 : i32
    "tpu.region"() ({
      %run_scoped3A = tpu.sem_alloc : memref<!tpu.dma_semaphore, #tpu.memory_space<semaphore_mem>>
      %dma_start3A = arith.constant 28160 : i32
      %dma_start3A_93 = tpu.memref_slice %arg5[%dma_start3A] : memref<45056xi32, #tpu.memory_space<vmem>> -> memref<5632xi32, #tpu.memory_space<vmem>>
      %dma_start3A_94 = arith.constant 0 : i32
      %dma_start3A_95 = tpu.memref_slice %arg2[%select_n3A, %add3A_78, %dma_start3A_94] : memref<2x128x5632xi32, #tpu.memory_space<hbm>> -> memref<1x1x5632xi32, #tpu.memory_space<hbm>>
      %dma_start3A_96 = tpu.memref_squeeze %dma_start3A_95 : memref<1x1x5632xi32, #tpu.memory_space<hbm>> -> memref<5632xi32, #tpu.memory_space<hbm>>
      %dma_start3A_97 = arith.constant 28160 : i32
      %dma_start3A_98 = tpu.memref_slice %arg5[%dma_start3A_97] : memref<45056xi32, #tpu.memory_space<vmem>> -> memref<5632xi32, #tpu.memory_space<vmem>>
      %dma_start3A_99 = arith.constant 0 : i32
      %dma_start3A_100 = tpu.memref_slice %arg2[%select_n3A, %add3A_78, %dma_start3A_99] : memref<2x128x5632xi32, #tpu.memory_space<hbm>> -> memref<1x1x5632xi32, #tpu.memory_space<hbm>>
      %dma_start3A_101 = tpu.memref_squeeze %dma_start3A_100 : memref<1x1x5632xi32, #tpu.memory_space<hbm>> -> memref<5632xi32, #tpu.memory_space<hbm>>
      tpu.enqueue_dma source(%dma_start3A_101 : memref<5632xi32, #tpu.memory_space<hbm>>) target(%dma_start3A_98 : memref<5632xi32, #tpu.memory_space<vmem>>) target_semaphore(%run_scoped3A : memref<!tpu.dma_semaphore, #tpu.memory_space<semaphore_mem>>)
      %dma_wait3A = arith.constant 28160 : i32
      %dma_wait3A_102 = tpu.memref_slice %arg5[%dma_wait3A] : memref<45056xi32, #tpu.memory_space<vmem>> -> memref<5632xi32, #tpu.memory_space<vmem>>
      %dma_wait3A_103 = arith.constant 0 : i32
      %dma_wait3A_104 = tpu.memref_slice %arg2[%select_n3A, %add3A_78, %dma_wait3A_103] : memref<2x128x5632xi32, #tpu.memory_space<hbm>> -> memref<1x1x5632xi32, #tpu.memory_space<hbm>>
      %dma_wait3A_105 = tpu.memref_squeeze %dma_wait3A_104 : memref<1x1x5632xi32, #tpu.memory_space<hbm>> -> memref<5632xi32, #tpu.memory_space<hbm>>
      %dma_wait3A_106 = arith.constant 28160 : i32
      %dma_wait3A_107 = tpu.memref_slice %arg5[%dma_wait3A_106] : memref<45056xi32, #tpu.memory_space<vmem>> -> memref<5632xi32, #tpu.memory_space<vmem>>
      %dma_wait3A_108 = arith.constant 0 : i32
      %dma_wait3A_109 = tpu.memref_slice %arg2[%select_n3A, %add3A_78, %dma_wait3A_108] : memref<2x128x5632xi32, #tpu.memory_space<hbm>> -> memref<1x1x5632xi32, #tpu.memory_space<hbm>>
      %dma_wait3A_110 = tpu.memref_squeeze %dma_wait3A_109 : memref<1x1x5632xi32, #tpu.memory_space<hbm>> -> memref<5632xi32, #tpu.memory_space<hbm>>
      tpu.wait_dma2 semaphore(%run_scoped3A : memref<!tpu.dma_semaphore, #tpu.memory_space<semaphore_mem>>) src(%dma_wait3A_110 : memref<5632xi32, #tpu.memory_space<hbm>>) dst(%dma_wait3A_107 : memref<5632xi32, #tpu.memory_space<vmem>>)
      tpu.yield
    }) : () -> ()
    %mul3A_79 = arith.constant 8 : i32
    %mul3A_80 = arith.muli %select_n3A_30, %mul3A_79 : i32
    %add3A_81 = arith.constant 6 : i32
    %add3A_82 = arith.addi %mul3A_80, %add3A_81 : i32
    "tpu.region"() ({
      %run_scoped3A = tpu.sem_alloc : memref<!tpu.dma_semaphore, #tpu.memory_space<semaphore_mem>>
      %dma_start3A = arith.constant 33792 : i32
      %dma_start3A_93 = tpu.memref_slice %arg5[%dma_start3A] : memref<45056xi32, #tpu.memory_space<vmem>> -> memref<5632xi32, #tpu.memory_space<vmem>>
      %dma_start3A_94 = arith.constant 0 : i32
      %dma_start3A_95 = tpu.memref_slice %arg2[%select_n3A, %add3A_82, %dma_start3A_94] : memref<2x128x5632xi32, #tpu.memory_space<hbm>> -> memref<1x1x5632xi32, #tpu.memory_space<hbm>>
      %dma_start3A_96 = tpu.memref_squeeze %dma_start3A_95 : memref<1x1x5632xi32, #tpu.memory_space<hbm>> -> memref<5632xi32, #tpu.memory_space<hbm>>
      %dma_start3A_97 = arith.constant 33792 : i32
      %dma_start3A_98 = tpu.memref_slice %arg5[%dma_start3A_97] : memref<45056xi32, #tpu.memory_space<vmem>> -> memref<5632xi32, #tpu.memory_space<vmem>>
      %dma_start3A_99 = arith.constant 0 : i32
      %dma_start3A_100 = tpu.memref_slice %arg2[%select_n3A, %add3A_82, %dma_start3A_99] : memref<2x128x5632xi32, #tpu.memory_space<hbm>> -> memref<1x1x5632xi32, #tpu.memory_space<hbm>>
      %dma_start3A_101 = tpu.memref_squeeze %dma_start3A_100 : memref<1x1x5632xi32, #tpu.memory_space<hbm>> -> memref<5632xi32, #tpu.memory_space<hbm>>
      tpu.enqueue_dma source(%dma_start3A_101 : memref<5632xi32, #tpu.memory_space<hbm>>) target(%dma_start3A_98 : memref<5632xi32, #tpu.memory_space<vmem>>) target_semaphore(%run_scoped3A : memref<!tpu.dma_semaphore, #tpu.memory_space<semaphore_mem>>)
      %dma_wait3A = arith.constant 33792 : i32
      %dma_wait3A_102 = tpu.memref_slice %arg5[%dma_wait3A] : memref<45056xi32, #tpu.memory_space<vmem>> -> memref<5632xi32, #tpu.memory_space<vmem>>
      %dma_wait3A_103 = arith.constant 0 : i32
      %dma_wait3A_104 = tpu.memref_slice %arg2[%select_n3A, %add3A_82, %dma_wait3A_103] : memref<2x128x5632xi32, #tpu.memory_space<hbm>> -> memref<1x1x5632xi32, #tpu.memory_space<hbm>>
      %dma_wait3A_105 = tpu.memref_squeeze %dma_wait3A_104 : memref<1x1x5632xi32, #tpu.memory_space<hbm>> -> memref<5632xi32, #tpu.memory_space<hbm>>
      %dma_wait3A_106 = arith.constant 33792 : i32
      %dma_wait3A_107 = tpu.memref_slice %arg5[%dma_wait3A_106] : memref<45056xi32, #tpu.memory_space<vmem>> -> memref<5632xi32, #tpu.memory_space<vmem>>
      %dma_wait3A_108 = arith.constant 0 : i32
      %dma_wait3A_109 = tpu.memref_slice %arg2[%select_n3A, %add3A_82, %dma_wait3A_108] : memref<2x128x5632xi32, #tpu.memory_space<hbm>> -> memref<1x1x5632xi32, #tpu.memory_space<hbm>>
      %dma_wait3A_110 = tpu.memref_squeeze %dma_wait3A_109 : memref<1x1x5632xi32, #tpu.memory_space<hbm>> -> memref<5632xi32, #tpu.memory_space<hbm>>
      tpu.wait_dma2 semaphore(%run_scoped3A : memref<!tpu.dma_semaphore, #tpu.memory_space<semaphore_mem>>) src(%dma_wait3A_110 : memref<5632xi32, #tpu.memory_space<hbm>>) dst(%dma_wait3A_107 : memref<5632xi32, #tpu.memory_space<vmem>>)
      tpu.yield
    }) : () -> ()
    %mul3A_83 = arith.constant 8 : i32
    %mul3A_84 = arith.muli %select_n3A_30, %mul3A_83 : i32
    %add3A_85 = arith.constant 7 : i32
    %add3A_86 = arith.addi %mul3A_84, %add3A_85 : i32
    "tpu.region"() ({
      %run_scoped3A = tpu.sem_alloc : memref<!tpu.dma_semaphore, #tpu.memory_space<semaphore_mem>>
      %dma_start3A = arith.constant 39424 : i32
      %dma_start3A_93 = tpu.memref_slice %arg5[%dma_start3A] : memref<45056xi32, #tpu.memory_space<vmem>> -> memref<5632xi32, #tpu.memory_space<vmem>>
      %dma_start3A_94 = arith.constant 0 : i32
      %dma_start3A_95 = tpu.memref_slice %arg2[%select_n3A, %add3A_86, %dma_start3A_94] : memref<2x128x5632xi32, #tpu.memory_space<hbm>> -> memref<1x1x5632xi32, #tpu.memory_space<hbm>>
      %dma_start3A_96 = tpu.memref_squeeze %dma_start3A_95 : memref<1x1x5632xi32, #tpu.memory_space<hbm>> -> memref<5632xi32, #tpu.memory_space<hbm>>
      %dma_start3A_97 = arith.constant 39424 : i32
      %dma_start3A_98 = tpu.memref_slice %arg5[%dma_start3A_97] : memref<45056xi32, #tpu.memory_space<vmem>> -> memref<5632xi32, #tpu.memory_space<vmem>>
      %dma_start3A_99 = arith.constant 0 : i32
      %dma_start3A_100 = tpu.memref_slice %arg2[%select_n3A, %add3A_86, %dma_start3A_99] : memref<2x128x5632xi32, #tpu.memory_space<hbm>> -> memref<1x1x5632xi32, #tpu.memory_space<hbm>>
      %dma_start3A_101 = tpu.memref_squeeze %dma_start3A_100 : memref<1x1x5632xi32, #tpu.memory_space<hbm>> -> memref<5632xi32, #tpu.memory_space<hbm>>
      tpu.enqueue_dma source(%dma_start3A_101 : memref<5632xi32, #tpu.memory_space<hbm>>) target(%dma_start3A_98 : memref<5632xi32, #tpu.memory_space<vmem>>) target_semaphore(%run_scoped3A : memref<!tpu.dma_semaphore, #tpu.memory_space<semaphore_mem>>)
      %dma_wait3A = arith.constant 39424 : i32
      %dma_wait3A_102 = tpu.memref_slice %arg5[%dma_wait3A] : memref<45056xi32, #tpu.memory_space<vmem>> -> memref<5632xi32, #tpu.memory_space<vmem>>
      %dma_wait3A_103 = arith.constant 0 : i32
      %dma_wait3A_104 = tpu.memref_slice %arg2[%select_n3A, %add3A_86, %dma_wait3A_103] : memref<2x128x5632xi32, #tpu.memory_space<hbm>> -> memref<1x1x5632xi32, #tpu.memory_space<hbm>>
      %dma_wait3A_105 = tpu.memref_squeeze %dma_wait3A_104 : memref<1x1x5632xi32, #tpu.memory_space<hbm>> -> memref<5632xi32, #tpu.memory_space<hbm>>
      %dma_wait3A_106 = arith.constant 39424 : i32
      %dma_wait3A_107 = tpu.memref_slice %arg5[%dma_wait3A_106] : memref<45056xi32, #tpu.memory_space<vmem>> -> memref<5632xi32, #tpu.memory_space<vmem>>
      %dma_wait3A_108 = arith.constant 0 : i32
      %dma_wait3A_109 = tpu.memref_slice %arg2[%select_n3A, %add3A_86, %dma_wait3A_108] : memref<2x128x5632xi32, #tpu.memory_space<hbm>> -> memref<1x1x5632xi32, #tpu.memory_space<hbm>>
      %dma_wait3A_110 = tpu.memref_squeeze %dma_wait3A_109 : memref<1x1x5632xi32, #tpu.memory_space<hbm>> -> memref<5632xi32, #tpu.memory_space<hbm>>
      tpu.wait_dma2 semaphore(%run_scoped3A : memref<!tpu.dma_semaphore, #tpu.memory_space<semaphore_mem>>) src(%dma_wait3A_110 : memref<5632xi32, #tpu.memory_space<hbm>>) dst(%dma_wait3A_107 : memref<5632xi32, #tpu.memory_space<vmem>>)
      tpu.yield
    }) : () -> ()
    %scan3A = arith.constant 0 : i32
    %scan3A_87 = arith.constant 0 : i32
    %scan3A_88 = arith.constant 11 : i32
    %scan3A_89 = arith.addi %scan3A_87, %scan3A_88 : i32
    %scan3A_90 = arith.constant 1 : i32
    %scan3A_91 = scf.for %scan3A_93 = %scan3A_87 to %scan3A_89 step %scan3A_90 iter_args(%scan3A_94 = %scan3A) -> (i32)  : i32 {
      %mul3A_95 = arith.constant 512 : i32
      %mul3A_96 = arith.muli %scan3A_93, %mul3A_95 : i32
      %mul3A_97 = arith.constant 16 : i32
      %mul3A_98 = arith.muli %select_n3A_54, %mul3A_97 : i32
      %add3A_99 = arith.constant 0 : i32
      %add3A_100 = arith.addi %add3A_99, %mul3A_98 : i32
      %multiple_of3A = tpu.assume_multiple %add3A_100, 8 : i32
      "tpu.region"() ({
        %run_scoped3A = tpu.sem_alloc : memref<!tpu.dma_semaphore, #tpu.memory_space<semaphore_mem>>
        %dma_start3A = arith.constant 0 : i32
        %dma_start3A_124 = arith.constant 0 : i32
        %dma_start3A_125 = tpu.memref_slice %arg6[%dma_start3A, %dma_start3A_124] : memref<64x512xi32, #tpu.memory_space<vmem>> -> memref<16x512xi32, #tpu.memory_space<vmem>>
        %dma_start3A_126 = tpu.memref_slice %arg3[%select_n3A, %multiple_of3A, %mul3A_96] : memref<2x512x5632xi32, #tpu.memory_space<hbm>> -> memref<1x16x512xi32, #tpu.memory_space<hbm>>
        %dma_start3A_127 = tpu.memref_squeeze %dma_start3A_126 : memref<1x16x512xi32, #tpu.memory_space<hbm>> -> memref<16x512xi32, #tpu.memory_space<hbm>>
        %dma_start3A_128 = arith.constant 0 : i32
        %dma_start3A_129 = arith.constant 0 : i32
        %dma_start3A_130 = tpu.memref_slice %arg6[%dma_start3A_128, %dma_start3A_129] : memref<64x512xi32, #tpu.memory_space<vmem>> -> memref<16x512xi32, #tpu.memory_space<vmem>>
        %dma_start3A_131 = tpu.memref_slice %arg3[%select_n3A, %multiple_of3A, %mul3A_96] : memref<2x512x5632xi32, #tpu.memory_space<hbm>> -> memref<1x16x512xi32, #tpu.memory_space<hbm>>
        %dma_start3A_132 = tpu.memref_squeeze %dma_start3A_131 : memref<1x16x512xi32, #tpu.memory_space<hbm>> -> memref<16x512xi32, #tpu.memory_space<hbm>>
        tpu.enqueue_dma source(%dma_start3A_132 : memref<16x512xi32, #tpu.memory_space<hbm>>) target(%dma_start3A_130 : memref<16x512xi32, #tpu.memory_space<vmem>>) target_semaphore(%run_scoped3A : memref<!tpu.dma_semaphore, #tpu.memory_space<semaphore_mem>>)
        %dma_wait3A = arith.constant 0 : i32
        %dma_wait3A_133 = arith.constant 0 : i32
        %dma_wait3A_134 = tpu.memref_slice %arg6[%dma_wait3A, %dma_wait3A_133] : memref<64x512xi32, #tpu.memory_space<vmem>> -> memref<16x512xi32, #tpu.memory_space<vmem>>
        %dma_wait3A_135 = tpu.memref_slice %arg3[%select_n3A, %multiple_of3A, %mul3A_96] : memref<2x512x5632xi32, #tpu.memory_space<hbm>> -> memref<1x16x512xi32, #tpu.memory_space<hbm>>
        %dma_wait3A_136 = tpu.memref_squeeze %dma_wait3A_135 : memref<1x16x512xi32, #tpu.memory_space<hbm>> -> memref<16x512xi32, #tpu.memory_space<hbm>>
        %dma_wait3A_137 = arith.constant 0 : i32
        %dma_wait3A_138 = arith.constant 0 : i32
        %dma_wait3A_139 = tpu.memref_slice %arg6[%dma_wait3A_137, %dma_wait3A_138] : memref<64x512xi32, #tpu.memory_space<vmem>> -> memref<16x512xi32, #tpu.memory_space<vmem>>
        %dma_wait3A_140 = tpu.memref_slice %arg3[%select_n3A, %multiple_of3A, %mul3A_96] : memref<2x512x5632xi32, #tpu.memory_space<hbm>> -> memref<1x16x512xi32, #tpu.memory_space<hbm>>
        %dma_wait3A_141 = tpu.memref_squeeze %dma_wait3A_140 : memref<1x16x512xi32, #tpu.memory_space<hbm>> -> memref<16x512xi32, #tpu.memory_space<hbm>>
        tpu.wait_dma2 semaphore(%run_scoped3A : memref<!tpu.dma_semaphore, #tpu.memory_space<semaphore_mem>>) src(%dma_wait3A_141 : memref<16x512xi32, #tpu.memory_space<hbm>>) dst(%dma_wait3A_139 : memref<16x512xi32, #tpu.memory_space<vmem>>)
        tpu.yield
      }) : () -> ()
      %mul3A_101 = arith.constant 16 : i32
      %mul3A_102 = arith.muli %select_n3A_54, %mul3A_101 : i32
      %add3A_103 = arith.constant 128 : i32
      %add3A_104 = arith.addi %add3A_103, %mul3A_102 : i32
      %multiple_of3A_105 = tpu.assume_multiple %add3A_104, 8 : i32
      "tpu.region"() ({
        %run_scoped3A = tpu.sem_alloc : memref<!tpu.dma_semaphore, #tpu.memory_space<semaphore_mem>>
        %dma_start3A = arith.constant 16 : i32
        %dma_start3A_124 = arith.constant 0 : i32
        %dma_start3A_125 = tpu.memref_slice %arg6[%dma_start3A, %dma_start3A_124] : memref<64x512xi32, #tpu.memory_space<vmem>> -> memref<16x512xi32, #tpu.memory_space<vmem>>
        %dma_start3A_126 = tpu.memref_slice %arg3[%select_n3A, %multiple_of3A_105, %mul3A_96] : memref<2x512x5632xi32, #tpu.memory_space<hbm>> -> memref<1x16x512xi32, #tpu.memory_space<hbm>>
        %dma_start3A_127 = tpu.memref_squeeze %dma_start3A_126 : memref<1x16x512xi32, #tpu.memory_space<hbm>> -> memref<16x512xi32, #tpu.memory_space<hbm>>
        %dma_start3A_128 = arith.constant 16 : i32
        %dma_start3A_129 = arith.constant 0 : i32
        %dma_start3A_130 = tpu.memref_slice %arg6[%dma_start3A_128, %dma_start3A_129] : memref<64x512xi32, #tpu.memory_space<vmem>> -> memref<16x512xi32, #tpu.memory_space<vmem>>
        %dma_start3A_131 = tpu.memref_slice %arg3[%select_n3A, %multiple_of3A_105, %mul3A_96] : memref<2x512x5632xi32, #tpu.memory_space<hbm>> -> memref<1x16x512xi32, #tpu.memory_space<hbm>>
        %dma_start3A_132 = tpu.memref_squeeze %dma_start3A_131 : memref<1x16x512xi32, #tpu.memory_space<hbm>> -> memref<16x512xi32, #tpu.memory_space<hbm>>
        tpu.enqueue_dma source(%dma_start3A_132 : memref<16x512xi32, #tpu.memory_space<hbm>>) target(%dma_start3A_130 : memref<16x512xi32, #tpu.memory_space<vmem>>) target_semaphore(%run_scoped3A : memref<!tpu.dma_semaphore, #tpu.memory_space<semaphore_mem>>)
        %dma_wait3A = arith.constant 16 : i32
        %dma_wait3A_133 = arith.constant 0 : i32
        %dma_wait3A_134 = tpu.memref_slice %arg6[%dma_wait3A, %dma_wait3A_133] : memref<64x512xi32, #tpu.memory_space<vmem>> -> memref<16x512xi32, #tpu.memory_space<vmem>>
        %dma_wait3A_135 = tpu.memref_slice %arg3[%select_n3A, %multiple_of3A_105, %mul3A_96] : memref<2x512x5632xi32, #tpu.memory_space<hbm>> -> memref<1x16x512xi32, #tpu.memory_space<hbm>>
        %dma_wait3A_136 = tpu.memref_squeeze %dma_wait3A_135 : memref<1x16x512xi32, #tpu.memory_space<hbm>> -> memref<16x512xi32, #tpu.memory_space<hbm>>
        %dma_wait3A_137 = arith.constant 16 : i32
        %dma_wait3A_138 = arith.constant 0 : i32
        %dma_wait3A_139 = tpu.memref_slice %arg6[%dma_wait3A_137, %dma_wait3A_138] : memref<64x512xi32, #tpu.memory_space<vmem>> -> memref<16x512xi32, #tpu.memory_space<vmem>>
        %dma_wait3A_140 = tpu.memref_slice %arg3[%select_n3A, %multiple_of3A_105, %mul3A_96] : memref<2x512x5632xi32, #tpu.memory_space<hbm>> -> memref<1x16x512xi32, #tpu.memory_space<hbm>>
        %dma_wait3A_141 = tpu.memref_squeeze %dma_wait3A_140 : memref<1x16x512xi32, #tpu.memory_space<hbm>> -> memref<16x512xi32, #tpu.memory_space<hbm>>
        tpu.wait_dma2 semaphore(%run_scoped3A : memref<!tpu.dma_semaphore, #tpu.memory_space<semaphore_mem>>) src(%dma_wait3A_141 : memref<16x512xi32, #tpu.memory_space<hbm>>) dst(%dma_wait3A_139 : memref<16x512xi32, #tpu.memory_space<vmem>>)
        tpu.yield
      }) : () -> ()
      %mul3A_106 = arith.constant 16 : i32
      %mul3A_107 = arith.muli %select_n3A_54, %mul3A_106 : i32
      %add3A_108 = arith.constant 256 : i32
      %add3A_109 = arith.addi %add3A_108, %mul3A_107 : i32
      %multiple_of3A_110 = tpu.assume_multiple %add3A_109, 8 : i32
      "tpu.region"() ({
        %run_scoped3A = tpu.sem_alloc : memref<!tpu.dma_semaphore, #tpu.memory_space<semaphore_mem>>
        %dma_start3A = arith.constant 32 : i32
        %dma_start3A_124 = arith.constant 0 : i32
        %dma_start3A_125 = tpu.memref_slice %arg6[%dma_start3A, %dma_start3A_124] : memref<64x512xi32, #tpu.memory_space<vmem>> -> memref<16x512xi32, #tpu.memory_space<vmem>>
        %dma_start3A_126 = tpu.memref_slice %arg3[%select_n3A, %multiple_of3A_110, %mul3A_96] : memref<2x512x5632xi32, #tpu.memory_space<hbm>> -> memref<1x16x512xi32, #tpu.memory_space<hbm>>
        %dma_start3A_127 = tpu.memref_squeeze %dma_start3A_126 : memref<1x16x512xi32, #tpu.memory_space<hbm>> -> memref<16x512xi32, #tpu.memory_space<hbm>>
        %dma_start3A_128 = arith.constant 32 : i32
        %dma_start3A_129 = arith.constant 0 : i32
        %dma_start3A_130 = tpu.memref_slice %arg6[%dma_start3A_128, %dma_start3A_129] : memref<64x512xi32, #tpu.memory_space<vmem>> -> memref<16x512xi32, #tpu.memory_space<vmem>>
        %dma_start3A_131 = tpu.memref_slice %arg3[%select_n3A, %multiple_of3A_110, %mul3A_96] : memref<2x512x5632xi32, #tpu.memory_space<hbm>> -> memref<1x16x512xi32, #tpu.memory_space<hbm>>
        %dma_start3A_132 = tpu.memref_squeeze %dma_start3A_131 : memref<1x16x512xi32, #tpu.memory_space<hbm>> -> memref<16x512xi32, #tpu.memory_space<hbm>>
        tpu.enqueue_dma source(%dma_start3A_132 : memref<16x512xi32, #tpu.memory_space<hbm>>) target(%dma_start3A_130 : memref<16x512xi32, #tpu.memory_space<vmem>>) target_semaphore(%run_scoped3A : memref<!tpu.dma_semaphore, #tpu.memory_space<semaphore_mem>>)
        %dma_wait3A = arith.constant 32 : i32
        %dma_wait3A_133 = arith.constant 0 : i32
        %dma_wait3A_134 = tpu.memref_slice %arg6[%dma_wait3A, %dma_wait3A_133] : memref<64x512xi32, #tpu.memory_space<vmem>> -> memref<16x512xi32, #tpu.memory_space<vmem>>
        %dma_wait3A_135 = tpu.memref_slice %arg3[%select_n3A, %multiple_of3A_110, %mul3A_96] : memref<2x512x5632xi32, #tpu.memory_space<hbm>> -> memref<1x16x512xi32, #tpu.memory_space<hbm>>
        %dma_wait3A_136 = tpu.memref_squeeze %dma_wait3A_135 : memref<1x16x512xi32, #tpu.memory_space<hbm>> -> memref<16x512xi32, #tpu.memory_space<hbm>>
        %dma_wait3A_137 = arith.constant 32 : i32
        %dma_wait3A_138 = arith.constant 0 : i32
        %dma_wait3A_139 = tpu.memref_slice %arg6[%dma_wait3A_137, %dma_wait3A_138] : memref<64x512xi32, #tpu.memory_space<vmem>> -> memref<16x512xi32, #tpu.memory_space<vmem>>
        %dma_wait3A_140 = tpu.memref_slice %arg3[%select_n3A, %multiple_of3A_110, %mul3A_96] : memref<2x512x5632xi32, #tpu.memory_space<hbm>> -> memref<1x16x512xi32, #tpu.memory_space<hbm>>
        %dma_wait3A_141 = tpu.memref_squeeze %dma_wait3A_140 : memref<1x16x512xi32, #tpu.memory_space<hbm>> -> memref<16x512xi32, #tpu.memory_space<hbm>>
        tpu.wait_dma2 semaphore(%run_scoped3A : memref<!tpu.dma_semaphore, #tpu.memory_space<semaphore_mem>>) src(%dma_wait3A_141 : memref<16x512xi32, #tpu.memory_space<hbm>>) dst(%dma_wait3A_139 : memref<16x512xi32, #tpu.memory_space<vmem>>)
        tpu.yield
      }) : () -> ()
      %mul3A_111 = arith.constant 16 : i32
      %mul3A_112 = arith.muli %select_n3A_54, %mul3A_111 : i32
      %add3A_113 = arith.constant 384 : i32
      %add3A_114 = arith.addi %add3A_113, %mul3A_112 : i32
      %multiple_of3A_115 = tpu.assume_multiple %add3A_114, 8 : i32
      "tpu.region"() ({
        %run_scoped3A = tpu.sem_alloc : memref<!tpu.dma_semaphore, #tpu.memory_space<semaphore_mem>>
        %dma_start3A = arith.constant 48 : i32
        %dma_start3A_124 = arith.constant 0 : i32
        %dma_start3A_125 = tpu.memref_slice %arg6[%dma_start3A, %dma_start3A_124] : memref<64x512xi32, #tpu.memory_space<vmem>> -> memref<16x512xi32, #tpu.memory_space<vmem>>
        %dma_start3A_126 = tpu.memref_slice %arg3[%select_n3A, %multiple_of3A_115, %mul3A_96] : memref<2x512x5632xi32, #tpu.memory_space<hbm>> -> memref<1x16x512xi32, #tpu.memory_space<hbm>>
        %dma_start3A_127 = tpu.memref_squeeze %dma_start3A_126 : memref<1x16x512xi32, #tpu.memory_space<hbm>> -> memref<16x512xi32, #tpu.memory_space<hbm>>
        %dma_start3A_128 = arith.constant 48 : i32
        %dma_start3A_129 = arith.constant 0 : i32
        %dma_start3A_130 = tpu.memref_slice %arg6[%dma_start3A_128, %dma_start3A_129] : memref<64x512xi32, #tpu.memory_space<vmem>> -> memref<16x512xi32, #tpu.memory_space<vmem>>
        %dma_start3A_131 = tpu.memref_slice %arg3[%select_n3A, %multiple_of3A_115, %mul3A_96] : memref<2x512x5632xi32, #tpu.memory_space<hbm>> -> memref<1x16x512xi32, #tpu.memory_space<hbm>>
        %dma_start3A_132 = tpu.memref_squeeze %dma_start3A_131 : memref<1x16x512xi32, #tpu.memory_space<hbm>> -> memref<16x512xi32, #tpu.memory_space<hbm>>
        tpu.enqueue_dma source(%dma_start3A_132 : memref<16x512xi32, #tpu.memory_space<hbm>>) target(%dma_start3A_130 : memref<16x512xi32, #tpu.memory_space<vmem>>) target_semaphore(%run_scoped3A : memref<!tpu.dma_semaphore, #tpu.memory_space<semaphore_mem>>)
        %dma_wait3A = arith.constant 48 : i32
        %dma_wait3A_133 = arith.constant 0 : i32
        %dma_wait3A_134 = tpu.memref_slice %arg6[%dma_wait3A, %dma_wait3A_133] : memref<64x512xi32, #tpu.memory_space<vmem>> -> memref<16x512xi32, #tpu.memory_space<vmem>>
        %dma_wait3A_135 = tpu.memref_slice %arg3[%select_n3A, %multiple_of3A_115, %mul3A_96] : memref<2x512x5632xi32, #tpu.memory_space<hbm>> -> memref<1x16x512xi32, #tpu.memory_space<hbm>>
        %dma_wait3A_136 = tpu.memref_squeeze %dma_wait3A_135 : memref<1x16x512xi32, #tpu.memory_space<hbm>> -> memref<16x512xi32, #tpu.memory_space<hbm>>
        %dma_wait3A_137 = arith.constant 48 : i32
        %dma_wait3A_138 = arith.constant 0 : i32
        %dma_wait3A_139 = tpu.memref_slice %arg6[%dma_wait3A_137, %dma_wait3A_138] : memref<64x512xi32, #tpu.memory_space<vmem>> -> memref<16x512xi32, #tpu.memory_space<vmem>>
        %dma_wait3A_140 = tpu.memref_slice %arg3[%select_n3A, %multiple_of3A_115, %mul3A_96] : memref<2x512x5632xi32, #tpu.memory_space<hbm>> -> memref<1x16x512xi32, #tpu.memory_space<hbm>>
        %dma_wait3A_141 = tpu.memref_squeeze %dma_wait3A_140 : memref<1x16x512xi32, #tpu.memory_space<hbm>> -> memref<16x512xi32, #tpu.memory_space<hbm>>
        tpu.wait_dma2 semaphore(%run_scoped3A : memref<!tpu.dma_semaphore, #tpu.memory_space<semaphore_mem>>) src(%dma_wait3A_141 : memref<16x512xi32, #tpu.memory_space<hbm>>) dst(%dma_wait3A_139 : memref<16x512xi32, #tpu.memory_space<vmem>>)
        tpu.yield
      }) : () -> ()
      %scan3A_116 = arith.constant 0 : i32
      %scan3A_117 = arith.constant 0 : i32
      %scan3A_118 = arith.constant 32 : i32
      %scan3A_119 = arith.addi %scan3A_117, %scan3A_118 : i32
      %scan3A_120 = arith.constant 1 : i32
      %scan3A_121 = scf.for %scan3A_124 = %scan3A_117 to %scan3A_119 step %scan3A_120 iter_args(%scan3A_125 = %scan3A_116) -> (i32)  : i32 {
        %broadcast_in_dim3A = arith.constant 0.000000e+00 : f32
        %broadcast_in_dim3A_126 = vector.broadcast %broadcast_in_dim3A : f32 to vector<16xf32>
        %broadcast_in_dim3A_127 = arith.constant 0.000000e+00 : f32
        %broadcast_in_dim3A_128 = vector.broadcast %broadcast_in_dim3A_127 : f32 to vector<16xf32>
        %broadcast_in_dim3A_129 = arith.constant 0.000000e+00 : f32
        %broadcast_in_dim3A_130 = vector.broadcast %broadcast_in_dim3A_129 : f32 to vector<16xf32>
        %broadcast_in_dim3A_131 = arith.constant 0.000000e+00 : f32
        %broadcast_in_dim3A_132 = vector.broadcast %broadcast_in_dim3A_131 : f32 to vector<16xf32>
        %broadcast_in_dim3A_133 = arith.constant 0.000000e+00 : f32
        %broadcast_in_dim3A_134 = vector.broadcast %broadcast_in_dim3A_133 : f32 to vector<16xf32>
        %broadcast_in_dim3A_135 = arith.constant 0.000000e+00 : f32
        %broadcast_in_dim3A_136 = vector.broadcast %broadcast_in_dim3A_135 : f32 to vector<16xf32>
        %broadcast_in_dim3A_137 = arith.constant 0.000000e+00 : f32
        %broadcast_in_dim3A_138 = vector.broadcast %broadcast_in_dim3A_137 : f32 to vector<16xf32>
        %broadcast_in_dim3A_139 = arith.constant 0.000000e+00 : f32
        %broadcast_in_dim3A_140 = vector.broadcast %broadcast_in_dim3A_139 : f32 to vector<16xf32>
        %broadcast_in_dim3A_141 = arith.constant 0.000000e+00 : f32
        %broadcast_in_dim3A_142 = vector.broadcast %broadcast_in_dim3A_141 : f32 to vector<16xf32>
        %broadcast_in_dim3A_143 = arith.constant 0.000000e+00 : f32
        %broadcast_in_dim3A_144 = vector.broadcast %broadcast_in_dim3A_143 : f32 to vector<16xf32>
        %broadcast_in_dim3A_145 = arith.constant 0.000000e+00 : f32
        %broadcast_in_dim3A_146 = vector.broadcast %broadcast_in_dim3A_145 : f32 to vector<16xf32>
        %broadcast_in_dim3A_147 = arith.constant 0.000000e+00 : f32
        %broadcast_in_dim3A_148 = vector.broadcast %broadcast_in_dim3A_147 : f32 to vector<16xf32>
        %broadcast_in_dim3A_149 = arith.constant 0.000000e+00 : f32
        %broadcast_in_dim3A_150 = vector.broadcast %broadcast_in_dim3A_149 : f32 to vector<16xf32>
        %broadcast_in_dim3A_151 = arith.constant 0.000000e+00 : f32
        %broadcast_in_dim3A_152 = vector.broadcast %broadcast_in_dim3A_151 : f32 to vector<16xf32>
        %broadcast_in_dim3A_153 = arith.constant 0.000000e+00 : f32
        %broadcast_in_dim3A_154 = vector.broadcast %broadcast_in_dim3A_153 : f32 to vector<16xf32>
        %broadcast_in_dim3A_155 = arith.constant 0.000000e+00 : f32
        %broadcast_in_dim3A_156 = vector.broadcast %broadcast_in_dim3A_155 : f32 to vector<16xf32>
        %scan3A_157 = arith.constant 0 : i32
        %scan3A_158 = arith.constant 32 : i32
        %scan3A_159 = arith.addi %scan3A_157, %scan3A_158 : i32
        %scan3A_160 = arith.constant 1 : i32
        %scan3A_161:16 = scf.for %scan3A_259 = %scan3A_157 to %scan3A_159 step %scan3A_160 iter_args(%scan3A_260 = %broadcast_in_dim3A_126, %scan3A_261 = %broadcast_in_dim3A_128, %scan3A_262 = %broadcast_in_dim3A_130, %scan3A_263 = %broadcast_in_dim3A_132, %scan3A_264 = %broadcast_in_dim3A_134, %scan3A_265 = %broadcast_in_dim3A_136, %scan3A_266 = %broadcast_in_dim3A_138, %scan3A_267 = %broadcast_in_dim3A_140, %scan3A_268 = %broadcast_in_dim3A_142, %scan3A_269 = %broadcast_in_dim3A_144, %scan3A_270 = %broadcast_in_dim3A_146, %scan3A_271 = %broadcast_in_dim3A_148, %scan3A_272 = %broadcast_in_dim3A_150, %scan3A_273 = %broadcast_in_dim3A_152, %scan3A_274 = %broadcast_in_dim3A_154, %scan3A_275 = %broadcast_in_dim3A_156) -> (vector<16xf32>, vector<16xf32>, vector<16xf32>, vector<16xf32>, vector<16xf32>, vector<16xf32>, vector<16xf32>, vector<16xf32>, vector<16xf32>, vector<16xf32>, vector<16xf32>, vector<16xf32>, vector<16xf32>, vector<16xf32>, vector<16xf32>, vector<16xf32>)  : i32 {
          %add3A_276 = arith.addi %scan3A_259, %scan3A_259 : i32
          %add3A_277 = arith.constant 1 : i32
          %add3A_278 = arith.addi %add3A_276, %add3A_277 : i32
          %add3A_279 = arith.addi %scan3A_259, %scan3A_259 : i32
          %mul3A_280 = arith.constant 16 : i32
          %mul3A_281 = arith.muli %scan3A_124, %mul3A_280 : i32
          %get3A = arith.index_cast %add3A_279 : i32 to index
          %get3A_282 = arith.index_cast %mul3A_281 : i32 to index
          %get3A_283 = tpu.vector_load %arg6[%get3A, %get3A_282] {strides = array<i32>} : memref<64x512xi32, #tpu.memory_space<vmem>>, vector<16xi32>,
          %shift_right_arithmetic3A = arith.constant 16 : i32
          %shift_right_arithmetic3A_284 = vector.broadcast %shift_right_arithmetic3A : i32 to vector<16xi32>
          %shift_right_arithmetic3A_285 = arith.shrsi %get3A_283, %shift_right_arithmetic3A_284 : vector<16xi32>
          %shift_left3A = arith.constant 16 : i32
          %shift_left3A_286 = vector.broadcast %shift_left3A : i32 to vector<16xi32>
          %shift_left3A_287 = arith.shli %get3A_283, %shift_left3A_286 : vector<16xi32>
          %bitcast3A = vector.bitcast %shift_left3A_287 : vector<16xi32> to vector<16xf32>
          %gather3A = arith.constant 0 : i32
          %gather3A_288 = tpu.memref_slice %arg5[%gather3A] : memref<45056xi32, #tpu.memory_space<vmem>> -> memref<5632xi32, #tpu.memory_space<vmem>>
          %gather3A_289 = tpu.vector_load_idx %gather3A_288[%shift_right_arithmetic3A_285] : memref<5632xi32, #tpu.memory_space<vmem>>[vector<16xi32>], vector<16xi32>,
          %shift_left3A_290 = arith.constant 16 : i32
          %shift_left3A_291 = vector.broadcast %shift_left3A_290 : i32 to vector<16xi32>
          %shift_left3A_292 = arith.shli %gather3A_289, %shift_left3A_291 : vector<16xi32>
          %bitcast3A_293 = vector.bitcast %shift_left3A_292 : vector<16xi32> to vector<16xf32>
          %bitcast3A_294 = vector.bitcast %gather3A_289 : vector<16xi32> to vector<16xf32>
          %mul3A_295 = arith.mulf %bitcast3A, %bitcast3A_293 : vector<16xf32>
          %add3A_296 = arith.addf %scan3A_260, %mul3A_295 : vector<16xf32>
          %mul3A_297 = arith.mulf %bitcast3A, %bitcast3A_294 : vector<16xf32>
          %add3A_298 = arith.addf %scan3A_261, %mul3A_297 : vector<16xf32>
          %gather3A_299 = arith.constant 5632 : i32
          %gather3A_300 = tpu.memref_slice %arg5[%gather3A_299] : memref<45056xi32, #tpu.memory_space<vmem>> -> memref<5632xi32, #tpu.memory_space<vmem>>
          %gather3A_301 = tpu.vector_load_idx %gather3A_300[%shift_right_arithmetic3A_285] : memref<5632xi32, #tpu.memory_space<vmem>>[vector<16xi32>], vector<16xi32>,
          %shift_left3A_302 = arith.constant 16 : i32
          %shift_left3A_303 = vector.broadcast %shift_left3A_302 : i32 to vector<16xi32>
          %shift_left3A_304 = arith.shli %gather3A_301, %shift_left3A_303 : vector<16xi32>
          %bitcast3A_305 = vector.bitcast %shift_left3A_304 : vector<16xi32> to vector<16xf32>
          %bitcast3A_306 = vector.bitcast %gather3A_301 : vector<16xi32> to vector<16xf32>
          %mul3A_307 = arith.mulf %bitcast3A, %bitcast3A_305 : vector<16xf32>
          %add3A_308 = arith.addf %scan3A_262, %mul3A_307 : vector<16xf32>
          %mul3A_309 = arith.mulf %bitcast3A, %bitcast3A_306 : vector<16xf32>
          %add3A_310 = arith.addf %scan3A_263, %mul3A_309 : vector<16xf32>
          %gather3A_311 = arith.constant 11264 : i32
          %gather3A_312 = tpu.memref_slice %arg5[%gather3A_311] : memref<45056xi32, #tpu.memory_space<vmem>> -> memref<5632xi32, #tpu.memory_space<vmem>>
          %gather3A_313 = tpu.vector_load_idx %gather3A_312[%shift_right_arithmetic3A_285] : memref<5632xi32, #tpu.memory_space<vmem>>[vector<16xi32>], vector<16xi32>,
          %shift_left3A_314 = arith.constant 16 : i32
          %shift_left3A_315 = vector.broadcast %shift_left3A_314 : i32 to vector<16xi32>
          %shift_left3A_316 = arith.shli %gather3A_313, %shift_left3A_315 : vector<16xi32>
          %bitcast3A_317 = vector.bitcast %shift_left3A_316 : vector<16xi32> to vector<16xf32>
          %bitcast3A_318 = vector.bitcast %gather3A_313 : vector<16xi32> to vector<16xf32>
          %mul3A_319 = arith.mulf %bitcast3A, %bitcast3A_317 : vector<16xf32>
          %add3A_320 = arith.addf %scan3A_264, %mul3A_319 : vector<16xf32>
          %mul3A_321 = arith.mulf %bitcast3A, %bitcast3A_318 : vector<16xf32>
          %add3A_322 = arith.addf %scan3A_265, %mul3A_321 : vector<16xf32>
          %gather3A_323 = arith.constant 16896 : i32
          %gather3A_324 = tpu.memref_slice %arg5[%gather3A_323] : memref<45056xi32, #tpu.memory_space<vmem>> -> memref<5632xi32, #tpu.memory_space<vmem>>
          %gather3A_325 = tpu.vector_load_idx %gather3A_324[%shift_right_arithmetic3A_285] : memref<5632xi32, #tpu.memory_space<vmem>>[vector<16xi32>], vector<16xi32>,
          %shift_left3A_326 = arith.constant 16 : i32
          %shift_left3A_327 = vector.broadcast %shift_left3A_326 : i32 to vector<16xi32>
          %shift_left3A_328 = arith.shli %gather3A_325, %shift_left3A_327 : vector<16xi32>
          %bitcast3A_329 = vector.bitcast %shift_left3A_328 : vector<16xi32> to vector<16xf32>
          %bitcast3A_330 = vector.bitcast %gather3A_325 : vector<16xi32> to vector<16xf32>
          %mul3A_331 = arith.mulf %bitcast3A, %bitcast3A_329 : vector<16xf32>
          %add3A_332 = arith.addf %scan3A_266, %mul3A_331 : vector<16xf32>
          %mul3A_333 = arith.mulf %bitcast3A, %bitcast3A_330 : vector<16xf32>
          %add3A_334 = arith.addf %scan3A_267, %mul3A_333 : vector<16xf32>
          %gather3A_335 = arith.constant 22528 : i32
          %gather3A_336 = tpu.memref_slice %arg5[%gather3A_335] : memref<45056xi32, #tpu.memory_space<vmem>> -> memref<5632xi32, #tpu.memory_space<vmem>>
          %gather3A_337 = tpu.vector_load_idx %gather3A_336[%shift_right_arithmetic3A_285] : memref<5632xi32, #tpu.memory_space<vmem>>[vector<16xi32>], vector<16xi32>,
          %shift_left3A_338 = arith.constant 16 : i32
          %shift_left3A_339 = vector.broadcast %shift_left3A_338 : i32 to vector<16xi32>
          %shift_left3A_340 = arith.shli %gather3A_337, %shift_left3A_339 : vector<16xi32>
          %bitcast3A_341 = vector.bitcast %shift_left3A_340 : vector<16xi32> to vector<16xf32>
          %bitcast3A_342 = vector.bitcast %gather3A_337 : vector<16xi32> to vector<16xf32>
          %mul3A_343 = arith.mulf %bitcast3A, %bitcast3A_341 : vector<16xf32>
          %add3A_344 = arith.addf %scan3A_268, %mul3A_343 : vector<16xf32>
          %mul3A_345 = arith.mulf %bitcast3A, %bitcast3A_342 : vector<16xf32>
          %add3A_346 = arith.addf %scan3A_269, %mul3A_345 : vector<16xf32>
          %gather3A_347 = arith.constant 28160 : i32
          %gather3A_348 = tpu.memref_slice %arg5[%gather3A_347] : memref<45056xi32, #tpu.memory_space<vmem>> -> memref<5632xi32, #tpu.memory_space<vmem>>
          %gather3A_349 = tpu.vector_load_idx %gather3A_348[%shift_right_arithmetic3A_285] : memref<5632xi32, #tpu.memory_space<vmem>>[vector<16xi32>], vector<16xi32>,
          %shift_left3A_350 = arith.constant 16 : i32
          %shift_left3A_351 = vector.broadcast %shift_left3A_350 : i32 to vector<16xi32>
          %shift_left3A_352 = arith.shli %gather3A_349, %shift_left3A_351 : vector<16xi32>
          %bitcast3A_353 = vector.bitcast %shift_left3A_352 : vector<16xi32> to vector<16xf32>
          %bitcast3A_354 = vector.bitcast %gather3A_349 : vector<16xi32> to vector<16xf32>
          %mul3A_355 = arith.mulf %bitcast3A, %bitcast3A_353 : vector<16xf32>
          %add3A_356 = arith.addf %scan3A_270, %mul3A_355 : vector<16xf32>
          %mul3A_357 = arith.mulf %bitcast3A, %bitcast3A_354 : vector<16xf32>
          %add3A_358 = arith.addf %scan3A_271, %mul3A_357 : vector<16xf32>
          %gather3A_359 = arith.constant 33792 : i32
          %gather3A_360 = tpu.memref_slice %arg5[%gather3A_359] : memref<45056xi32, #tpu.memory_space<vmem>> -> memref<5632xi32, #tpu.memory_space<vmem>>
          %gather3A_361 = tpu.vector_load_idx %gather3A_360[%shift_right_arithmetic3A_285] : memref<5632xi32, #tpu.memory_space<vmem>>[vector<16xi32>], vector<16xi32>,
          %shift_left3A_362 = arith.constant 16 : i32
          %shift_left3A_363 = vector.broadcast %shift_left3A_362 : i32 to vector<16xi32>
          %shift_left3A_364 = arith.shli %gather3A_361, %shift_left3A_363 : vector<16xi32>
          %bitcast3A_365 = vector.bitcast %shift_left3A_364 : vector<16xi32> to vector<16xf32>
          %bitcast3A_366 = vector.bitcast %gather3A_361 : vector<16xi32> to vector<16xf32>
          %mul3A_367 = arith.mulf %bitcast3A, %bitcast3A_365 : vector<16xf32>
          %add3A_368 = arith.addf %scan3A_272, %mul3A_367 : vector<16xf32>
          %mul3A_369 = arith.mulf %bitcast3A, %bitcast3A_366 : vector<16xf32>
          %add3A_370 = arith.addf %scan3A_273, %mul3A_369 : vector<16xf32>
          %gather3A_371 = arith.constant 39424 : i32
          %gather3A_372 = tpu.memref_slice %arg5[%gather3A_371] : memref<45056xi32, #tpu.memory_space<vmem>> -> memref<5632xi32, #tpu.memory_space<vmem>>
          %gather3A_373 = tpu.vector_load_idx %gather3A_372[%shift_right_arithmetic3A_285] : memref<5632xi32, #tpu.memory_space<vmem>>[vector<16xi32>], vector<16xi32>,
          %shift_left3A_374 = arith.constant 16 : i32
          %shift_left3A_375 = vector.broadcast %shift_left3A_374 : i32 to vector<16xi32>
          %shift_left3A_376 = arith.shli %gather3A_373, %shift_left3A_375 : vector<16xi32>
          %bitcast3A_377 = vector.bitcast %shift_left3A_376 : vector<16xi32> to vector<16xf32>
          %bitcast3A_378 = vector.bitcast %gather3A_373 : vector<16xi32> to vector<16xf32>
          %mul3A_379 = arith.mulf %bitcast3A, %bitcast3A_377 : vector<16xf32>
          %add3A_380 = arith.addf %scan3A_274, %mul3A_379 : vector<16xf32>
          %mul3A_381 = arith.mulf %bitcast3A, %bitcast3A_378 : vector<16xf32>
          %add3A_382 = arith.addf %scan3A_275, %mul3A_381 : vector<16xf32>
          %mul3A_383 = arith.constant 16 : i32
          %mul3A_384 = arith.muli %scan3A_124, %mul3A_383 : i32
          %get3A_385 = arith.index_cast %add3A_278 : i32 to index
          %get3A_386 = arith.index_cast %mul3A_384 : i32 to index
          %get3A_387 = tpu.vector_load %arg6[%get3A_385, %get3A_386] {strides = array<i32>} : memref<64x512xi32, #tpu.memory_space<vmem>>, vector<16xi32>,
          %shift_right_arithmetic3A_388 = arith.constant 16 : i32
          %shift_right_arithmetic3A_389 = vector.broadcast %shift_right_arithmetic3A_388 : i32 to vector<16xi32>
          %shift_right_arithmetic3A_390 = arith.shrsi %get3A_387, %shift_right_arithmetic3A_389 : vector<16xi32>
          %shift_left3A_391 = arith.constant 16 : i32
          %shift_left3A_392 = vector.broadcast %shift_left3A_391 : i32 to vector<16xi32>
          %shift_left3A_393 = arith.shli %get3A_387, %shift_left3A_392 : vector<16xi32>
          %bitcast3A_394 = vector.bitcast %shift_left3A_393 : vector<16xi32> to vector<16xf32>
          %gather3A_395 = arith.constant 0 : i32
          %gather3A_396 = tpu.memref_slice %arg5[%gather3A_395] : memref<45056xi32, #tpu.memory_space<vmem>> -> memref<5632xi32, #tpu.memory_space<vmem>>
          %gather3A_397 = tpu.vector_load_idx %gather3A_396[%shift_right_arithmetic3A_390] : memref<5632xi32, #tpu.memory_space<vmem>>[vector<16xi32>], vector<16xi32>,
          %shift_left3A_398 = arith.constant 16 : i32
          %shift_left3A_399 = vector.broadcast %shift_left3A_398 : i32 to vector<16xi32>
          %shift_left3A_400 = arith.shli %gather3A_397, %shift_left3A_399 : vector<16xi32>
          %bitcast3A_401 = vector.bitcast %shift_left3A_400 : vector<16xi32> to vector<16xf32>
          %bitcast3A_402 = vector.bitcast %gather3A_397 : vector<16xi32> to vector<16xf32>
          %mul3A_403 = arith.mulf %bitcast3A_394, %bitcast3A_401 : vector<16xf32>
          %add3A_404 = arith.addf %add3A_296, %mul3A_403 : vector<16xf32>
          %mul3A_405 = arith.mulf %bitcast3A_394, %bitcast3A_402 : vector<16xf32>
          %add3A_406 = arith.addf %add3A_298, %mul3A_405 : vector<16xf32>
          %gather3A_407 = arith.constant 5632 : i32
          %gather3A_408 = tpu.memref_slice %arg5[%gather3A_407] : memref<45056xi32, #tpu.memory_space<vmem>> -> memref<5632xi32, #tpu.memory_space<vmem>>
          %gather3A_409 = tpu.vector_load_idx %gather3A_408[%shift_right_arithmetic3A_390] : memref<5632xi32, #tpu.memory_space<vmem>>[vector<16xi32>], vector<16xi32>,
          %shift_left3A_410 = arith.constant 16 : i32
          %shift_left3A_411 = vector.broadcast %shift_left3A_410 : i32 to vector<16xi32>
          %shift_left3A_412 = arith.shli %gather3A_409, %shift_left3A_411 : vector<16xi32>
          %bitcast3A_413 = vector.bitcast %shift_left3A_412 : vector<16xi32> to vector<16xf32>
          %bitcast3A_414 = vector.bitcast %gather3A_409 : vector<16xi32> to vector<16xf32>
          %mul3A_415 = arith.mulf %bitcast3A_394, %bitcast3A_413 : vector<16xf32>
          %add3A_416 = arith.addf %add3A_308, %mul3A_415 : vector<16xf32>
          %mul3A_417 = arith.mulf %bitcast3A_394, %bitcast3A_414 : vector<16xf32>
          %add3A_418 = arith.addf %add3A_310, %mul3A_417 : vector<16xf32>
          %gather3A_419 = arith.constant 11264 : i32
          %gather3A_420 = tpu.memref_slice %arg5[%gather3A_419] : memref<45056xi32, #tpu.memory_space<vmem>> -> memref<5632xi32, #tpu.memory_space<vmem>>
          %gather3A_421 = tpu.vector_load_idx %gather3A_420[%shift_right_arithmetic3A_390] : memref<5632xi32, #tpu.memory_space<vmem>>[vector<16xi32>], vector<16xi32>,
          %shift_left3A_422 = arith.constant 16 : i32
          %shift_left3A_423 = vector.broadcast %shift_left3A_422 : i32 to vector<16xi32>
          %shift_left3A_424 = arith.shli %gather3A_421, %shift_left3A_423 : vector<16xi32>
          %bitcast3A_425 = vector.bitcast %shift_left3A_424 : vector<16xi32> to vector<16xf32>
          %bitcast3A_426 = vector.bitcast %gather3A_421 : vector<16xi32> to vector<16xf32>
          %mul3A_427 = arith.mulf %bitcast3A_394, %bitcast3A_425 : vector<16xf32>
          %add3A_428 = arith.addf %add3A_320, %mul3A_427 : vector<16xf32>
          %mul3A_429 = arith.mulf %bitcast3A_394, %bitcast3A_426 : vector<16xf32>
          %add3A_430 = arith.addf %add3A_322, %mul3A_429 : vector<16xf32>
          %gather3A_431 = arith.constant 16896 : i32
          %gather3A_432 = tpu.memref_slice %arg5[%gather3A_431] : memref<45056xi32, #tpu.memory_space<vmem>> -> memref<5632xi32, #tpu.memory_space<vmem>>
          %gather3A_433 = tpu.vector_load_idx %gather3A_432[%shift_right_arithmetic3A_390] : memref<5632xi32, #tpu.memory_space<vmem>>[vector<16xi32>], vector<16xi32>,
          %shift_left3A_434 = arith.constant 16 : i32
          %shift_left3A_435 = vector.broadcast %shift_left3A_434 : i32 to vector<16xi32>
          %shift_left3A_436 = arith.shli %gather3A_433, %shift_left3A_435 : vector<16xi32>
          %bitcast3A_437 = vector.bitcast %shift_left3A_436 : vector<16xi32> to vector<16xf32>
          %bitcast3A_438 = vector.bitcast %gather3A_433 : vector<16xi32> to vector<16xf32>
          %mul3A_439 = arith.mulf %bitcast3A_394, %bitcast3A_437 : vector<16xf32>
          %add3A_440 = arith.addf %add3A_332, %mul3A_439 : vector<16xf32>
          %mul3A_441 = arith.mulf %bitcast3A_394, %bitcast3A_438 : vector<16xf32>
          %add3A_442 = arith.addf %add3A_334, %mul3A_441 : vector<16xf32>
          %gather3A_443 = arith.constant 22528 : i32
          %gather3A_444 = tpu.memref_slice %arg5[%gather3A_443] : memref<45056xi32, #tpu.memory_space<vmem>> -> memref<5632xi32, #tpu.memory_space<vmem>>
          %gather3A_445 = tpu.vector_load_idx %gather3A_444[%shift_right_arithmetic3A_390] : memref<5632xi32, #tpu.memory_space<vmem>>[vector<16xi32>], vector<16xi32>,
          %shift_left3A_446 = arith.constant 16 : i32
          %shift_left3A_447 = vector.broadcast %shift_left3A_446 : i32 to vector<16xi32>
          %shift_left3A_448 = arith.shli %gather3A_445, %shift_left3A_447 : vector<16xi32>
          %bitcast3A_449 = vector.bitcast %shift_left3A_448 : vector<16xi32> to vector<16xf32>
          %bitcast3A_450 = vector.bitcast %gather3A_445 : vector<16xi32> to vector<16xf32>
          %mul3A_451 = arith.mulf %bitcast3A_394, %bitcast3A_449 : vector<16xf32>
          %add3A_452 = arith.addf %add3A_344, %mul3A_451 : vector<16xf32>
          %mul3A_453 = arith.mulf %bitcast3A_394, %bitcast3A_450 : vector<16xf32>
          %add3A_454 = arith.addf %add3A_346, %mul3A_453 : vector<16xf32>
          %gather3A_455 = arith.constant 28160 : i32
          %gather3A_456 = tpu.memref_slice %arg5[%gather3A_455] : memref<45056xi32, #tpu.memory_space<vmem>> -> memref<5632xi32, #tpu.memory_space<vmem>>
          %gather3A_457 = tpu.vector_load_idx %gather3A_456[%shift_right_arithmetic3A_390] : memref<5632xi32, #tpu.memory_space<vmem>>[vector<16xi32>], vector<16xi32>,
          %shift_left3A_458 = arith.constant 16 : i32
          %shift_left3A_459 = vector.broadcast %shift_left3A_458 : i32 to vector<16xi32>
          %shift_left3A_460 = arith.shli %gather3A_457, %shift_left3A_459 : vector<16xi32>
          %bitcast3A_461 = vector.bitcast %shift_left3A_460 : vector<16xi32> to vector<16xf32>
          %bitcast3A_462 = vector.bitcast %gather3A_457 : vector<16xi32> to vector<16xf32>
          %mul3A_463 = arith.mulf %bitcast3A_394, %bitcast3A_461 : vector<16xf32>
          %add3A_464 = arith.addf %add3A_356, %mul3A_463 : vector<16xf32>
          %mul3A_465 = arith.mulf %bitcast3A_394, %bitcast3A_462 : vector<16xf32>
          %add3A_466 = arith.addf %add3A_358, %mul3A_465 : vector<16xf32>
          %gather3A_467 = arith.constant 33792 : i32
          %gather3A_468 = tpu.memref_slice %arg5[%gather3A_467] : memref<45056xi32, #tpu.memory_space<vmem>> -> memref<5632xi32, #tpu.memory_space<vmem>>
          %gather3A_469 = tpu.vector_load_idx %gather3A_468[%shift_right_arithmetic3A_390] : memref<5632xi32, #tpu.memory_space<vmem>>[vector<16xi32>], vector<16xi32>,
          %shift_left3A_470 = arith.constant 16 : i32
          %shift_left3A_471 = vector.broadcast %shift_left3A_470 : i32 to vector<16xi32>
          %shift_left3A_472 = arith.shli %gather3A_469, %shift_left3A_471 : vector<16xi32>
          %bitcast3A_473 = vector.bitcast %shift_left3A_472 : vector<16xi32> to vector<16xf32>
          %bitcast3A_474 = vector.bitcast %gather3A_469 : vector<16xi32> to vector<16xf32>
          %mul3A_475 = arith.mulf %bitcast3A_394, %bitcast3A_473 : vector<16xf32>
          %add3A_476 = arith.addf %add3A_368, %mul3A_475 : vector<16xf32>
          %mul3A_477 = arith.mulf %bitcast3A_394, %bitcast3A_474 : vector<16xf32>
          %add3A_478 = arith.addf %add3A_370, %mul3A_477 : vector<16xf32>
          %gather3A_479 = arith.constant 39424 : i32
          %gather3A_480 = tpu.memref_slice %arg5[%gather3A_479] : memref<45056xi32, #tpu.memory_space<vmem>> -> memref<5632xi32, #tpu.memory_space<vmem>>
          %gather3A_481 = tpu.vector_load_idx %gather3A_480[%shift_right_arithmetic3A_390] : memref<5632xi32, #tpu.memory_space<vmem>>[vector<16xi32>], vector<16xi32>,
          %shift_left3A_482 = arith.constant 16 : i32
          %shift_left3A_483 = vector.broadcast %shift_left3A_482 : i32 to vector<16xi32>
          %shift_left3A_484 = arith.shli %gather3A_481, %shift_left3A_483 : vector<16xi32>
          %bitcast3A_485 = vector.bitcast %shift_left3A_484 : vector<16xi32> to vector<16xf32>
          %bitcast3A_486 = vector.bitcast %gather3A_481 : vector<16xi32> to vector<16xf32>
          %mul3A_487 = arith.mulf %bitcast3A_394, %bitcast3A_485 : vector<16xf32>
          %add3A_488 = arith.addf %add3A_380, %mul3A_487 : vector<16xf32>
          %mul3A_489 = arith.mulf %bitcast3A_394, %bitcast3A_486 : vector<16xf32>
          %add3A_490 = arith.addf %add3A_382, %mul3A_489 : vector<16xf32>
          scf.yield %add3A_404, %add3A_406, %add3A_416, %add3A_418, %add3A_428, %add3A_430, %add3A_440, %add3A_442, %add3A_452, %add3A_454, %add3A_464, %add3A_466, %add3A_476, %add3A_478, %add3A_488, %add3A_490 : vector<16xf32>, vector<16xf32>, vector<16xf32>, vector<16xf32>, vector<16xf32>, vector<16xf32>, vector<16xf32>, vector<16xf32>, vector<16xf32>, vector<16xf32>, vector<16xf32>, vector<16xf32>, vector<16xf32>, vector<16xf32>, vector<16xf32>, vector<16xf32>
        }
        %scan3A_162 = arith.constant 32 : i32
        %mul3A_163 = arith.constant 16 : i32
        %mul3A_164 = arith.muli %scan3A_124, %mul3A_163 : i32
        %swap3A = arith.constant 0 : i32
        %swap3A_165 = arith.index_cast %swap3A : i32 to index
        %swap3A_166 = arith.index_cast %mul3A_164 : i32 to index
        %swap3A_167 = tpu.vector_load %arg7[%swap3A_165, %swap3A_166] {strides = array<i32>} : memref<16x512xf32, #tpu.memory_space<vmem>>, vector<16xf32>,
        tpu.vector_store %arg7[%swap3A_165, %swap3A_166], %scan3A_161#0 {strides = array<i32>} : memref<16x512xf32, #tpu.memory_space<vmem>>, vector<16xf32>,
        %mul3A_168 = arith.constant 16 : i32
        %mul3A_169 = arith.muli %scan3A_124, %mul3A_168 : i32
        %swap3A_170 = arith.constant 1 : i32
        %swap3A_171 = arith.index_cast %swap3A_170 : i32 to index
        %swap3A_172 = arith.index_cast %mul3A_169 : i32 to index
        %swap3A_173 = tpu.vector_load %arg7[%swap3A_171, %swap3A_172] {strides = array<i32>} : memref<16x512xf32, #tpu.memory_space<vmem>>, vector<16xf32>,
        tpu.vector_store %arg7[%swap3A_171, %swap3A_172], %scan3A_161#1 {strides = array<i32>} : memref<16x512xf32, #tpu.memory_space<vmem>>, vector<16xf32>,
        %mul3A_174 = arith.constant 16 : i32
        %mul3A_175 = arith.muli %scan3A_124, %mul3A_174 : i32
        %swap3A_176 = arith.constant 2 : i32
        %swap3A_177 = arith.index_cast %swap3A_176 : i32 to index
        %swap3A_178 = arith.index_cast %mul3A_175 : i32 to index
        %swap3A_179 = tpu.vector_load %arg7[%swap3A_177, %swap3A_178] {strides = array<i32>} : memref<16x512xf32, #tpu.memory_space<vmem>>, vector<16xf32>,
        tpu.vector_store %arg7[%swap3A_177, %swap3A_178], %scan3A_161#2 {strides = array<i32>} : memref<16x512xf32, #tpu.memory_space<vmem>>, vector<16xf32>,
        %mul3A_180 = arith.constant 16 : i32
        %mul3A_181 = arith.muli %scan3A_124, %mul3A_180 : i32
        %swap3A_182 = arith.constant 3 : i32
        %swap3A_183 = arith.index_cast %swap3A_182 : i32 to index
        %swap3A_184 = arith.index_cast %mul3A_181 : i32 to index
        %swap3A_185 = tpu.vector_load %arg7[%swap3A_183, %swap3A_184] {strides = array<i32>} : memref<16x512xf32, #tpu.memory_space<vmem>>, vector<16xf32>,
        tpu.vector_store %arg7[%swap3A_183, %swap3A_184], %scan3A_161#3 {strides = array<i32>} : memref<16x512xf32, #tpu.memory_space<vmem>>, vector<16xf32>,
        %mul3A_186 = arith.constant 16 : i32
        %mul3A_187 = arith.muli %scan3A_124, %mul3A_186 : i32
        %swap3A_188 = arith.constant 4 : i32
        %swap3A_189 = arith.index_cast %swap3A_188 : i32 to index
        %swap3A_190 = arith.index_cast %mul3A_187 : i32 to index
        %swap3A_191 = tpu.vector_load %arg7[%swap3A_189, %swap3A_190] {strides = array<i32>} : memref<16x512xf32, #tpu.memory_space<vmem>>, vector<16xf32>,
        tpu.vector_store %arg7[%swap3A_189, %swap3A_190], %scan3A_161#4 {strides = array<i32>} : memref<16x512xf32, #tpu.memory_space<vmem>>, vector<16xf32>,
        %mul3A_192 = arith.constant 16 : i32
        %mul3A_193 = arith.muli %scan3A_124, %mul3A_192 : i32
        %swap3A_194 = arith.constant 5 : i32
        %swap3A_195 = arith.index_cast %swap3A_194 : i32 to index
        %swap3A_196 = arith.index_cast %mul3A_193 : i32 to index
        %swap3A_197 = tpu.vector_load %arg7[%swap3A_195, %swap3A_196] {strides = array<i32>} : memref<16x512xf32, #tpu.memory_space<vmem>>, vector<16xf32>,
        tpu.vector_store %arg7[%swap3A_195, %swap3A_196], %scan3A_161#5 {strides = array<i32>} : memref<16x512xf32, #tpu.memory_space<vmem>>, vector<16xf32>,
        %mul3A_198 = arith.constant 16 : i32
        %mul3A_199 = arith.muli %scan3A_124, %mul3A_198 : i32
        %swap3A_200 = arith.constant 6 : i32
        %swap3A_201 = arith.index_cast %swap3A_200 : i32 to index
        %swap3A_202 = arith.index_cast %mul3A_199 : i32 to index
        %swap3A_203 = tpu.vector_load %arg7[%swap3A_201, %swap3A_202] {strides = array<i32>} : memref<16x512xf32, #tpu.memory_space<vmem>>, vector<16xf32>,
        tpu.vector_store %arg7[%swap3A_201, %swap3A_202], %scan3A_161#6 {strides = array<i32>} : memref<16x512xf32, #tpu.memory_space<vmem>>, vector<16xf32>,
        %mul3A_204 = arith.constant 16 : i32
        %mul3A_205 = arith.muli %scan3A_124, %mul3A_204 : i32
        %swap3A_206 = arith.constant 7 : i32
        %swap3A_207 = arith.index_cast %swap3A_206 : i32 to index
        %swap3A_208 = arith.index_cast %mul3A_205 : i32 to index
        %swap3A_209 = tpu.vector_load %arg7[%swap3A_207, %swap3A_208] {strides = array<i32>} : memref<16x512xf32, #tpu.memory_space<vmem>>, vector<16xf32>,
        tpu.vector_store %arg7[%swap3A_207, %swap3A_208], %scan3A_161#7 {strides = array<i32>} : memref<16x512xf32, #tpu.memory_space<vmem>>, vector<16xf32>,
        %mul3A_210 = arith.constant 16 : i32
        %mul3A_211 = arith.muli %scan3A_124, %mul3A_210 : i32
        %swap3A_212 = arith.constant 8 : i32
        %swap3A_213 = arith.index_cast %swap3A_212 : i32 to index
        %swap3A_214 = arith.index_cast %mul3A_211 : i32 to index
        %swap3A_215 = tpu.vector_load %arg7[%swap3A_213, %swap3A_214] {strides = array<i32>} : memref<16x512xf32, #tpu.memory_space<vmem>>, vector<16xf32>,
        tpu.vector_store %arg7[%swap3A_213, %swap3A_214], %scan3A_161#8 {strides = array<i32>} : memref<16x512xf32, #tpu.memory_space<vmem>>, vector<16xf32>,
        %mul3A_216 = arith.constant 16 : i32
        %mul3A_217 = arith.muli %scan3A_124, %mul3A_216 : i32
        %swap3A_218 = arith.constant 9 : i32
        %swap3A_219 = arith.index_cast %swap3A_218 : i32 to index
        %swap3A_220 = arith.index_cast %mul3A_217 : i32 to index
        %swap3A_221 = tpu.vector_load %arg7[%swap3A_219, %swap3A_220] {strides = array<i32>} : memref<16x512xf32, #tpu.memory_space<vmem>>, vector<16xf32>,
        tpu.vector_store %arg7[%swap3A_219, %swap3A_220], %scan3A_161#9 {strides = array<i32>} : memref<16x512xf32, #tpu.memory_space<vmem>>, vector<16xf32>,
        %mul3A_222 = arith.constant 16 : i32
        %mul3A_223 = arith.muli %scan3A_124, %mul3A_222 : i32
        %swap3A_224 = arith.constant 10 : i32
        %swap3A_225 = arith.index_cast %swap3A_224 : i32 to index
        %swap3A_226 = arith.index_cast %mul3A_223 : i32 to index
        %swap3A_227 = tpu.vector_load %arg7[%swap3A_225, %swap3A_226] {strides = array<i32>} : memref<16x512xf32, #tpu.memory_space<vmem>>, vector<16xf32>,
        tpu.vector_store %arg7[%swap3A_225, %swap3A_226], %scan3A_161#10 {strides = array<i32>} : memref<16x512xf32, #tpu.memory_space<vmem>>, vector<16xf32>,
        %mul3A_228 = arith.constant 16 : i32
        %mul3A_229 = arith.muli %scan3A_124, %mul3A_228 : i32
        %swap3A_230 = arith.constant 11 : i32
        %swap3A_231 = arith.index_cast %swap3A_230 : i32 to index
        %swap3A_232 = arith.index_cast %mul3A_229 : i32 to index
        %swap3A_233 = tpu.vector_load %arg7[%swap3A_231, %swap3A_232] {strides = array<i32>} : memref<16x512xf32, #tpu.memory_space<vmem>>, vector<16xf32>,
        tpu.vector_store %arg7[%swap3A_231, %swap3A_232], %scan3A_161#11 {strides = array<i32>} : memref<16x512xf32, #tpu.memory_space<vmem>>, vector<16xf32>,
        %mul3A_234 = arith.constant 16 : i32
        %mul3A_235 = arith.muli %scan3A_124, %mul3A_234 : i32
        %swap3A_236 = arith.constant 12 : i32
        %swap3A_237 = arith.index_cast %swap3A_236 : i32 to index
        %swap3A_238 = arith.index_cast %mul3A_235 : i32 to index
        %swap3A_239 = tpu.vector_load %arg7[%swap3A_237, %swap3A_238] {strides = array<i32>} : memref<16x512xf32, #tpu.memory_space<vmem>>, vector<16xf32>,
        tpu.vector_store %arg7[%swap3A_237, %swap3A_238], %scan3A_161#12 {strides = array<i32>} : memref<16x512xf32, #tpu.memory_space<vmem>>, vector<16xf32>,
        %mul3A_240 = arith.constant 16 : i32
        %mul3A_241 = arith.muli %scan3A_124, %mul3A_240 : i32
        %swap3A_242 = arith.constant 13 : i32
        %swap3A_243 = arith.index_cast %swap3A_242 : i32 to index
        %swap3A_244 = arith.index_cast %mul3A_241 : i32 to index
        %swap3A_245 = tpu.vector_load %arg7[%swap3A_243, %swap3A_244] {strides = array<i32>} : memref<16x512xf32, #tpu.memory_space<vmem>>, vector<16xf32>,
        tpu.vector_store %arg7[%swap3A_243, %swap3A_244], %scan3A_161#13 {strides = array<i32>} : memref<16x512xf32, #tpu.memory_space<vmem>>, vector<16xf32>,
        %mul3A_246 = arith.constant 16 : i32
        %mul3A_247 = arith.muli %scan3A_124, %mul3A_246 : i32
        %swap3A_248 = arith.constant 14 : i32
        %swap3A_249 = arith.index_cast %swap3A_248 : i32 to index
        %swap3A_250 = arith.index_cast %mul3A_247 : i32 to index
        %swap3A_251 = tpu.vector_load %arg7[%swap3A_249, %swap3A_250] {strides = array<i32>} : memref<16x512xf32, #tpu.memory_space<vmem>>, vector<16xf32>,
        tpu.vector_store %arg7[%swap3A_249, %swap3A_250], %scan3A_161#14 {strides = array<i32>} : memref<16x512xf32, #tpu.memory_space<vmem>>, vector<16xf32>,
        %mul3A_252 = arith.constant 16 : i32
        %mul3A_253 = arith.muli %scan3A_124, %mul3A_252 : i32
        %swap3A_254 = arith.constant 15 : i32
        %swap3A_255 = arith.index_cast %swap3A_254 : i32 to index
        %swap3A_256 = arith.index_cast %mul3A_253 : i32 to index
        %swap3A_257 = tpu.vector_load %arg7[%swap3A_255, %swap3A_256] {strides = array<i32>} : memref<16x512xf32, #tpu.memory_space<vmem>>, vector<16xf32>,
        tpu.vector_store %arg7[%swap3A_255, %swap3A_256], %scan3A_161#15 {strides = array<i32>} : memref<16x512xf32, #tpu.memory_space<vmem>>, vector<16xf32>,
        %scan3A_258 = arith.constant 0 : i32
        scf.yield %scan3A_258 : i32
      }
      %scan3A_122 = arith.constant 32 : i32
      "tpu.region"() ({
        %run_scoped3A = tpu.sem_alloc : memref<!tpu.dma_semaphore, #tpu.memory_space<semaphore_mem>>
        %dma_start3A = arith.constant 0 : i32
        %dma_start3A_124 = tpu.memref_slice %arg4[%add3A, %dma_start3A, %mul3A_96] : memref<32x16x5632xf32, #tpu.memory_space<hbm>> -> memref<1x16x512xf32, #tpu.memory_space<hbm>>
        %dma_start3A_125 = tpu.memref_squeeze %dma_start3A_124 : memref<1x16x512xf32, #tpu.memory_space<hbm>> -> memref<16x512xf32, #tpu.memory_space<hbm>>
        %dma_start3A_126 = arith.constant 0 : i32
        %dma_start3A_127 = tpu.memref_slice %arg4[%add3A, %dma_start3A_126, %mul3A_96] : memref<32x16x5632xf32, #tpu.memory_space<hbm>> -> memref<1x16x512xf32, #tpu.memory_space<hbm>>
        %dma_start3A_128 = tpu.memref_squeeze %dma_start3A_127 : memref<1x16x512xf32, #tpu.memory_space<hbm>> -> memref<16x512xf32, #tpu.memory_space<hbm>>
        tpu.enqueue_dma source(%arg7 : memref<16x512xf32, #tpu.memory_space<vmem>>) target(%dma_start3A_128 : memref<16x512xf32, #tpu.memory_space<hbm>>) target_semaphore(%run_scoped3A : memref<!tpu.dma_semaphore, #tpu.memory_space<semaphore_mem>>)
        %dma_wait3A = arith.constant 0 : i32
        %dma_wait3A_129 = tpu.memref_slice %arg4[%add3A, %dma_wait3A, %mul3A_96] : memref<32x16x5632xf32, #tpu.memory_space<hbm>> -> memref<1x16x512xf32, #tpu.memory_space<hbm>>
        %dma_wait3A_130 = tpu.memref_squeeze %dma_wait3A_129 : memref<1x16x512xf32, #tpu.memory_space<hbm>> -> memref<16x512xf32, #tpu.memory_space<hbm>>
        %dma_wait3A_131 = arith.constant 0 : i32
        %dma_wait3A_132 = tpu.memref_slice %arg4[%add3A, %dma_wait3A_131, %mul3A_96] : memref<32x16x5632xf32, #tpu.memory_space<hbm>> -> memref<1x16x512xf32, #tpu.memory_space<hbm>>
        %dma_wait3A_133 = tpu.memref_squeeze %dma_wait3A_132 : memref<1x16x512xf32, #tpu.memory_space<hbm>> -> memref<16x512xf32, #tpu.memory_space<hbm>>
        tpu.wait_dma2 semaphore(%run_scoped3A : memref<!tpu.dma_semaphore, #tpu.memory_space<semaphore_mem>>) src(%arg7 : memref<16x512xf32, #tpu.memory_space<vmem>>) dst(%dma_wait3A_133 : memref<16x512xf32, #tpu.memory_space<hbm>>)
        tpu.yield
      }) : () -> ()
      %scan3A_123 = arith.constant 0 : i32
      scf.yield %scan3A_123 : i32
    }
    %scan3A_92 = arith.constant 11 : i32
    return
  }
}

module attributes {stable_mosaic.version = 14 : i64} {
  func.func @_prelude_body(%arg0: i32, %arg1: i32, %arg2: memref<1x256x512xf32, #tpu.memory_space<vmem>>, %arg3: memref<1x256x512xf32, #tpu.memory_space<vmem>>, %arg4: memref<1x8x512xf32, #tpu.memory_space<vmem>>, %arg5: memref<256x256xf32, #tpu.memory_space<vmem>>, %arg6: memref<256x1xf32, #tpu.memory_space<vmem>>, %arg7: memref<128x256xf32, #tpu.memory_space<vmem>>, %arg8: memref<128x1xf32, #tpu.memory_space<vmem>>, %arg9: memref<128x256xf32, #tpu.memory_space<vmem>>, %arg10: memref<128x1xf32, #tpu.memory_space<vmem>>, %arg11: memref<128x256xf32, #tpu.memory_space<vmem>>, %arg12: memref<128x1xf32, #tpu.memory_space<vmem>>, %arg13: memref<256x8xf32, #tpu.memory_space<vmem>>, %arg14: memref<256x1xf32, #tpu.memory_space<vmem>>, %arg15: memref<128x1xf32, #tpu.memory_space<vmem>>, %arg16: memref<128x1xf32, #tpu.memory_space<vmem>>, %arg17: memref<128x1xf32, #tpu.memory_space<vmem>>, %arg18: memref<128x128xf32, #tpu.memory_space<vmem>>, %arg19: memref<1x512x512xi32, #tpu.memory_space<vmem>>, %arg20: memref<1x128x512xi32, #tpu.memory_space<vmem>>) attributes {dimension_semantics = [#tpu.dimension_semantics<arbitrary>, #tpu.dimension_semantics<arbitrary>], iteration_bounds = array<i64: 2, 11>, scalar_prefetch = 0 : i64, scratch_operands = 0 : i64, tpu.core_type = #tpu.core_type<tc>, window_params = [{transform_indices = @transform_0, window_bounds = array<i64: 1, 256, 512>}, {transform_indices = @transform_1, window_bounds = array<i64: 1, 256, 512>}, {transform_indices = @transform_2, window_bounds = array<i64: 1, 8, 512>}, {pipeline_mode = #tpu.pipeline_mode<synchronous>, transform_indices = @transform_3, window_bounds = array<i64: 256, 256>}, {pipeline_mode = #tpu.pipeline_mode<synchronous>, transform_indices = @transform_4, window_bounds = array<i64: 256, 1>}, {pipeline_mode = #tpu.pipeline_mode<synchronous>, transform_indices = @transform_5, window_bounds = array<i64: 128, 256>}, {pipeline_mode = #tpu.pipeline_mode<synchronous>, transform_indices = @transform_6, window_bounds = array<i64: 128, 1>}, {pipeline_mode = #tpu.pipeline_mode<synchronous>, transform_indices = @transform_7, window_bounds = array<i64: 128, 256>}, {pipeline_mode = #tpu.pipeline_mode<synchronous>, transform_indices = @transform_8, window_bounds = array<i64: 128, 1>}, {pipeline_mode = #tpu.pipeline_mode<synchronous>, transform_indices = @transform_9, window_bounds = array<i64: 128, 256>}, {pipeline_mode = #tpu.pipeline_mode<synchronous>, transform_indices = @transform_10, window_bounds = array<i64: 128, 1>}, {pipeline_mode = #tpu.pipeline_mode<synchronous>, transform_indices = @transform_11, window_bounds = array<i64: 256, 8>}, {pipeline_mode = #tpu.pipeline_mode<synchronous>, transform_indices = @transform_12, window_bounds = array<i64: 256, 1>}, {pipeline_mode = #tpu.pipeline_mode<synchronous>, transform_indices = @transform_13, window_bounds = array<i64: 128, 1>}, {pipeline_mode = #tpu.pipeline_mode<synchronous>, transform_indices = @transform_14, window_bounds = array<i64: 128, 1>}, {pipeline_mode = #tpu.pipeline_mode<synchronous>, transform_indices = @transform_15, window_bounds = array<i64: 128, 1>}, {pipeline_mode = #tpu.pipeline_mode<synchronous>, transform_indices = @transform_16, window_bounds = array<i64: 128, 128>}, {transform_indices = @transform_17, window_bounds = array<i64: 1, 512, 512>}, {transform_indices = @transform_18, window_bounds = array<i64: 1, 128, 512>}]} {
    %get3A = arith.constant 0 : index
    %get3A_0 = arith.constant 0 : index
    %get3A_1 = arith.constant 0 : index
    %get3A_2 = vector.load %arg2[%get3A, %get3A_0, %get3A_1] : memref<1x256x512xf32, #tpu.memory_space<vmem>>, vector<1x256x512xf32>
    %get3A_3 = vector.shape_cast %get3A_2 : vector<1x256x512xf32> to vector<256x512xf32>
    %get3A_4 = arith.constant 0 : index
    %get3A_5 = arith.constant 0 : index
    %get3A_6 = arith.constant 0 : index
    %get3A_7 = vector.load %arg3[%get3A_4, %get3A_5, %get3A_6] : memref<1x256x512xf32, #tpu.memory_space<vmem>>, vector<1x256x512xf32>
    %get3A_8 = vector.shape_cast %get3A_7 : vector<1x256x512xf32> to vector<256x512xf32>
    %get3A_9 = arith.constant 0 : index
    %get3A_10 = arith.constant 0 : index
    %get3A_11 = arith.constant 0 : index
    %get3A_12 = vector.load %arg4[%get3A_9, %get3A_10, %get3A_11] : memref<1x8x512xf32, #tpu.memory_space<vmem>>, vector<1x8x512xf32>
    %get3A_13 = vector.shape_cast %get3A_12 : vector<1x8x512xf32> to vector<8x512xf32>
    %get3A_14 = arith.constant 0 : index
    %get3A_15 = arith.constant 0 : index
    %get3A_16 = vector.load %arg9[%get3A_14, %get3A_15] : memref<128x256xf32, #tpu.memory_space<vmem>>, vector<128x256xf32>
    %dot_general3A = arith.constant dense<0.000000e+00> : vector<128x512xf32>
    %dot_general3A_17 = tpu.matmul %get3A_16, %get3A_8, %dot_general3A {dimension_numbers = #tpu.dot_dimension_numbers<[1], [0], [0], [1], [0, 0, 1, 1], [], []>, transpose_lhs_hint = false} : vector<128x256xf32>, vector<256x512xf32>, vector<128x512xf32> -> vector<128x512xf32>
    %get3A_18 = arith.constant 0 : index
    %get3A_19 = arith.constant 0 : index
    %get3A_20 = vector.load %arg10[%get3A_18, %get3A_19] : memref<128x1xf32, #tpu.memory_space<vmem>>, vector<128x1xf32>
    %add3A = vector.broadcast %get3A_20 : vector<128x1xf32> to vector<128x512xf32>
    %add3A_21 = arith.addf %dot_general3A_17, %add3A : vector<128x512xf32>
    %get3A_22 = arith.constant 0 : index
    %get3A_23 = arith.constant 0 : index
    %get3A_24 = vector.load %arg11[%get3A_22, %get3A_23] : memref<128x256xf32, #tpu.memory_space<vmem>>, vector<128x256xf32>
    %dot_general3A_25 = arith.constant dense<0.000000e+00> : vector<128x512xf32>
    %dot_general3A_26 = tpu.matmul %get3A_24, %get3A_8, %dot_general3A_25 {dimension_numbers = #tpu.dot_dimension_numbers<[1], [0], [0], [1], [0, 0, 1, 1], [], []>, transpose_lhs_hint = false} : vector<128x256xf32>, vector<256x512xf32>, vector<128x512xf32> -> vector<128x512xf32>
    %get3A_27 = arith.constant 0 : index
    %get3A_28 = arith.constant 0 : index
    %get3A_29 = vector.load %arg12[%get3A_27, %get3A_28] : memref<128x1xf32, #tpu.memory_space<vmem>>, vector<128x1xf32>
    %add3A_30 = vector.broadcast %get3A_29 : vector<128x1xf32> to vector<128x512xf32>
    %add3A_31 = arith.addf %dot_general3A_26, %add3A_30 : vector<128x512xf32>
    %bitcast_convert_type3A = tpu.bitcast %add3A_21 : vector<128x512xf32> -> vector<128x512xi32>
    %add3A_32 = arith.constant 32767 : i32
    %add3A_33 = vector.broadcast %add3A_32 : i32 to vector<128x512xi32>
    %add3A_34 = arith.addi %bitcast_convert_type3A, %add3A_33 : vector<128x512xi32>
    %shift_right_arithmetic3A = arith.constant 16 : i32
    %shift_right_arithmetic3A_35 = vector.broadcast %shift_right_arithmetic3A : i32 to vector<128x512xi32>
    %shift_right_arithmetic3A_36 = arith.shrsi %bitcast_convert_type3A, %shift_right_arithmetic3A_35 : vector<128x512xi32>
    %and3A = arith.constant 1 : i32
    %and3A_37 = vector.broadcast %and3A : i32 to vector<128x512xi32>
    %and3A_38 = arith.andi %shift_right_arithmetic3A_36, %and3A_37 : vector<128x512xi32>
    %add3A_39 = arith.addi %add3A_34, %and3A_38 : vector<128x512xi32>
    %shift_right_arithmetic3A_40 = arith.constant 16 : i32
    %shift_right_arithmetic3A_41 = vector.broadcast %shift_right_arithmetic3A_40 : i32 to vector<128x512xi32>
    %shift_right_arithmetic3A_42 = arith.shrsi %add3A_39, %shift_right_arithmetic3A_41 : vector<128x512xi32>
    %and3A_43 = arith.constant 65535 : i32
    %and3A_44 = vector.broadcast %and3A_43 : i32 to vector<128x512xi32>
    %and3A_45 = arith.andi %shift_right_arithmetic3A_42, %and3A_44 : vector<128x512xi32>
    %bitcast_convert_type3A_46 = tpu.bitcast %add3A_31 : vector<128x512xf32> -> vector<128x512xi32>
    %add3A_47 = arith.constant 32767 : i32
    %add3A_48 = vector.broadcast %add3A_47 : i32 to vector<128x512xi32>
    %add3A_49 = arith.addi %bitcast_convert_type3A_46, %add3A_48 : vector<128x512xi32>
    %shift_right_arithmetic3A_50 = arith.constant 16 : i32
    %shift_right_arithmetic3A_51 = vector.broadcast %shift_right_arithmetic3A_50 : i32 to vector<128x512xi32>
    %shift_right_arithmetic3A_52 = arith.shrsi %bitcast_convert_type3A_46, %shift_right_arithmetic3A_51 : vector<128x512xi32>
    %and3A_53 = arith.constant 1 : i32
    %and3A_54 = vector.broadcast %and3A_53 : i32 to vector<128x512xi32>
    %and3A_55 = arith.andi %shift_right_arithmetic3A_52, %and3A_54 : vector<128x512xi32>
    %add3A_56 = arith.addi %add3A_49, %and3A_55 : vector<128x512xi32>
    %shift_right_arithmetic3A_57 = arith.constant 16 : i32
    %shift_right_arithmetic3A_58 = vector.broadcast %shift_right_arithmetic3A_57 : i32 to vector<128x512xi32>
    %shift_right_arithmetic3A_59 = arith.shrsi %add3A_56, %shift_right_arithmetic3A_58 : vector<128x512xi32>
    %and3A_60 = arith.constant 65535 : i32
    %and3A_61 = vector.broadcast %and3A_60 : i32 to vector<128x512xi32>
    %and3A_62 = arith.andi %shift_right_arithmetic3A_59, %and3A_61 : vector<128x512xi32>
    %shift_left3A = arith.constant 16 : i32
    %shift_left3A_63 = vector.broadcast %shift_left3A : i32 to vector<128x512xi32>
    %shift_left3A_64 = arith.shli %and3A_62, %shift_left3A_63 : vector<128x512xi32>
    %or3A = arith.ori %and3A_45, %shift_left3A_64 : vector<128x512xi32>
    %swap3A = arith.constant 0 : index
    %swap3A_65 = arith.constant 0 : index
    %swap3A_66 = arith.constant 0 : index
    %swap3A_67 = vector.load %arg20[%swap3A, %swap3A_65, %swap3A_66] : memref<1x128x512xi32, #tpu.memory_space<vmem>>, vector<1x128x512xi32>
    %swap3A_68 = vector.shape_cast %swap3A_67 : vector<1x128x512xi32> to vector<128x512xi32>
    %swap3A_69 = vector.shape_cast %or3A : vector<128x512xi32> to vector<1x128x512xi32>
    tpu.vector_store %arg20[%swap3A, %swap3A_65, %swap3A_66], %swap3A_69 {strides = array<i32>} : memref<1x128x512xi32, #tpu.memory_space<vmem>>, vector<1x128x512xi32>,
    %get3A_70 = arith.constant 0 : index
    %get3A_71 = arith.constant 0 : index
    %get3A_72 = vector.load %arg5[%get3A_70, %get3A_71] : memref<256x256xf32, #tpu.memory_space<vmem>>, vector<256x256xf32>
    %dot_general3A_73 = arith.constant dense<0.000000e+00> : vector<256x512xf32>
    %dot_general3A_74 = tpu.matmul %get3A_72, %get3A_3, %dot_general3A_73 {dimension_numbers = #tpu.dot_dimension_numbers<[1], [0], [0], [1], [0, 0, 1, 1], [], []>, transpose_lhs_hint = false} : vector<256x256xf32>, vector<256x512xf32>, vector<256x512xf32> -> vector<256x512xf32>
    %get3A_75 = arith.constant 0 : index
    %get3A_76 = arith.constant 0 : index
    %get3A_77 = vector.load %arg6[%get3A_75, %get3A_76] : memref<256x1xf32, #tpu.memory_space<vmem>>, vector<256x1xf32>
    %add3A_78 = vector.broadcast %get3A_77 : vector<256x1xf32> to vector<256x512xf32>
    %add3A_79 = arith.addf %dot_general3A_74, %add3A_78 : vector<256x512xf32>
    %get3A_80 = arith.constant 0 : index
    %get3A_81 = arith.constant 0 : index
    %get3A_82 = vector.load %arg7[%get3A_80, %get3A_81] : memref<128x256xf32, #tpu.memory_space<vmem>>, vector<128x256xf32>
    %dot_general3A_83 = arith.constant dense<0.000000e+00> : vector<128x512xf32>
    %dot_general3A_84 = tpu.matmul %get3A_82, %get3A_3, %dot_general3A_83 {dimension_numbers = #tpu.dot_dimension_numbers<[1], [0], [0], [1], [0, 0, 1, 1], [], []>, transpose_lhs_hint = false} : vector<128x256xf32>, vector<256x512xf32>, vector<128x512xf32> -> vector<128x512xf32>
    %get3A_85 = arith.constant 0 : index
    %get3A_86 = arith.constant 0 : index
    %get3A_87 = vector.load %arg8[%get3A_85, %get3A_86] : memref<128x1xf32, #tpu.memory_space<vmem>>, vector<128x1xf32>
    %add3A_88 = vector.broadcast %get3A_87 : vector<128x1xf32> to vector<128x512xf32>
    %add3A_89 = arith.addf %dot_general3A_84, %add3A_88 : vector<128x512xf32>
    %exp3A = math.exp %add3A_89 : vector<128x512xf32>
    %get3A_90 = arith.constant 0 : index
    %get3A_91 = arith.constant 0 : index
    %get3A_92 = vector.load %arg18[%get3A_90, %get3A_91] : memref<128x128xf32, #tpu.memory_space<vmem>>, vector<128x128xf32>
    %dot_general3A_93 = arith.constant dense<0.000000e+00> : vector<128x512xf32>
    %dot_general3A_94 = tpu.matmul %get3A_92, %exp3A, %dot_general3A_93 {dimension_numbers = #tpu.dot_dimension_numbers<[1], [0], [0], [1], [0, 0, 1, 1], [], []>, transpose_lhs_hint = false} : vector<128x128xf32>, vector<128x512xf32>, vector<128x512xf32> -> vector<128x512xf32>
    %div3A = arith.divf %exp3A, %dot_general3A_94 : vector<128x512xf32>
    %get3A_95 = arith.constant 0 : index
    %get3A_96 = arith.constant 0 : index
    %get3A_97 = vector.load %arg13[%get3A_95, %get3A_96] : memref<256x8xf32, #tpu.memory_space<vmem>>, vector<256x8xf32>
    %dot_general3A_98 = arith.constant dense<0.000000e+00> : vector<256x512xf32>
    %dot_general3A_99 = tpu.matmul %get3A_97, %get3A_13, %dot_general3A_98 {dimension_numbers = #tpu.dot_dimension_numbers<[1], [0], [0], [1], [0, 0, 1, 1], [], []>, precision = #tpu.contract_precision<fp32>, transpose_lhs_hint = false} : vector<256x8xf32>, vector<8x512xf32>, vector<256x512xf32> -> vector<256x512xf32>
    %get3A_100 = arith.constant 0 : index
    %get3A_101 = arith.constant 0 : index
    %get3A_102 = vector.load %arg14[%get3A_100, %get3A_101] : memref<256x1xf32, #tpu.memory_space<vmem>>, vector<256x1xf32>
    %mul3A = vector.broadcast %get3A_102 : vector<256x1xf32> to vector<256x512xf32>
    %mul3A_103 = arith.mulf %dot_general3A_99, %mul3A : vector<256x512xf32>
    %add3A_104 = arith.addf %mul3A_103, %add3A_79 : vector<256x512xf32>
    %sub3A = arith.constant 5.000000e-01 : f32
    %sub3A_105 = vector.broadcast %sub3A : f32 to vector<256x512xf32>
    %sub3A_106 = arith.subf %add3A_104, %sub3A_105 : vector<256x512xf32>
    %slice3A = vector.extract_strided_slice %sub3A_106 {offsets = [0, 0], sizes = [128, 512], strides = [1, 1]} : vector<256x512xf32> to vector<128x512xf32>
    %slice3A_107 = vector.extract_strided_slice %sub3A_106 {offsets = [128, 0], sizes = [128, 512], strides = [1, 1]} : vector<256x512xf32> to vector<128x512xf32>
    %get3A_108 = arith.constant 0 : index
    %get3A_109 = arith.constant 0 : index
    %get3A_110 = vector.load %arg15[%get3A_108, %get3A_109] : memref<128x1xf32, #tpu.memory_space<vmem>>, vector<128x1xf32>
    %get3A_111 = arith.constant 0 : index
    %get3A_112 = arith.constant 0 : index
    %get3A_113 = vector.load %arg16[%get3A_111, %get3A_112] : memref<128x1xf32, #tpu.memory_space<vmem>>, vector<128x1xf32>
    %floor3A = math.floor %slice3A : vector<128x512xf32>
    %floor3A_114 = math.floor %slice3A_107 : vector<128x512xf32>
    %sub3A_115 = arith.subf %slice3A, %floor3A : vector<128x512xf32>
    %sub3A_116 = arith.subf %slice3A_107, %floor3A_114 : vector<128x512xf32>
    %sub3A_117 = arith.constant 1.000000e+00 : f32
    %sub3A_118 = vector.broadcast %sub3A_117 : f32 to vector<128x512xf32>
    %sub3A_119 = arith.subf %sub3A_118, %sub3A_115 : vector<128x512xf32>
    %sub3A_120 = arith.constant 1.000000e+00 : f32
    %sub3A_121 = vector.broadcast %sub3A_120 : f32 to vector<128x512xf32>
    %sub3A_122 = arith.subf %sub3A_121, %sub3A_116 : vector<128x512xf32>
    %add3A_123 = arith.constant 0.000000e+00 : f32
    %add3A_124 = vector.broadcast %add3A_123 : f32 to vector<128x512xf32>
    %add3A_125 = arith.addf %floor3A, %add3A_124 : vector<128x512xf32>
    %add3A_126 = arith.constant 0.000000e+00 : f32
    %add3A_127 = vector.broadcast %add3A_126 : f32 to vector<128x512xf32>
    %add3A_128 = arith.addf %floor3A_114, %add3A_127 : vector<128x512xf32>
    %ge3A = arith.constant 0.000000e+00 : f32
    %ge3A_129 = vector.broadcast %ge3A : f32 to vector<128x512xf32>
    %ge3A_130 = arith.cmpf oge, %add3A_125, %ge3A_129 : vector<128x512xf32>
    %sub3A_131 = arith.constant 1.000000e+00 : f32
    %sub3A_132 = vector.broadcast %sub3A_131 : f32 to vector<128x1xf32>
    %sub3A_133 = arith.subf %get3A_110, %sub3A_132 : vector<128x1xf32>
    %le3A = vector.broadcast %sub3A_133 : vector<128x1xf32> to vector<128x512xf32>
    %le3A_134 = arith.cmpf ole, %add3A_125, %le3A : vector<128x512xf32>
    %and3A_135 = arith.andi %ge3A_130, %le3A_134 : vector<128x512xi1>
    %ge3A_136 = arith.constant 0.000000e+00 : f32
    %ge3A_137 = vector.broadcast %ge3A_136 : f32 to vector<128x512xf32>
    %ge3A_138 = arith.cmpf oge, %add3A_128, %ge3A_137 : vector<128x512xf32>
    %and3A_139 = arith.andi %and3A_135, %ge3A_138 : vector<128x512xi1>
    %sub3A_140 = arith.constant 1.000000e+00 : f32
    %sub3A_141 = vector.broadcast %sub3A_140 : f32 to vector<128x1xf32>
    %sub3A_142 = arith.subf %get3A_113, %sub3A_141 : vector<128x1xf32>
    %le3A_143 = vector.broadcast %sub3A_142 : vector<128x1xf32> to vector<128x512xf32>
    %le3A_144 = arith.cmpf ole, %add3A_128, %le3A_143 : vector<128x512xf32>
    %and3A_145 = arith.andi %and3A_139, %le3A_144 : vector<128x512xi1>
    %convert_element_type3A = arith.extui %and3A_145 : vector<128x512xi1> to vector<128x512xi32>
    %convert_element_type3A_146 = arith.sitofp %convert_element_type3A : vector<128x512xi32> to vector<128x512xf32>
    %sub3A_147 = arith.constant 1.000000e+00 : f32
    %sub3A_148 = vector.broadcast %sub3A_147 : f32 to vector<128x1xf32>
    %sub3A_149 = arith.subf %get3A_110, %sub3A_148 : vector<128x1xf32>
    %jit3A = arith.constant 0.000000e+00 : f32
    %max3A = vector.broadcast %jit3A : f32 to vector<128x512xf32>
    %max3A_150 = arith.maximumf %max3A, %add3A_125 : vector<128x512xf32>
    %min3A = vector.broadcast %sub3A_149 : vector<128x1xf32> to vector<128x512xf32>
    %min3A_151 = arith.minimumf %min3A, %max3A_150 : vector<128x512xf32>
    %sub3A_152 = arith.constant 1.000000e+00 : f32
    %sub3A_153 = vector.broadcast %sub3A_152 : f32 to vector<128x1xf32>
    %sub3A_154 = arith.subf %get3A_113, %sub3A_153 : vector<128x1xf32>
    %jit3A_155 = arith.constant 0.000000e+00 : f32
    %max3A_156 = vector.broadcast %jit3A_155 : f32 to vector<128x512xf32>
    %max3A_157 = arith.maximumf %max3A_156, %add3A_128 : vector<128x512xf32>
    %min3A_158 = vector.broadcast %sub3A_154 : vector<128x1xf32> to vector<128x512xf32>
    %min3A_159 = arith.minimumf %min3A_158, %max3A_157 : vector<128x512xf32>
    %get3A_160 = arith.constant 0 : index
    %get3A_161 = arith.constant 0 : index
    %get3A_162 = vector.load %arg17[%get3A_160, %get3A_161] : memref<128x1xf32, #tpu.memory_space<vmem>>, vector<128x1xf32>
    %mul3A_163 = vector.broadcast %get3A_110 : vector<128x1xf32> to vector<128x512xf32>
    %mul3A_164 = arith.mulf %min3A_159, %mul3A_163 : vector<128x512xf32>
    %add3A_165 = vector.broadcast %get3A_162 : vector<128x1xf32> to vector<128x512xf32>
    %add3A_166 = arith.addf %add3A_165, %mul3A_164 : vector<128x512xf32>
    %add3A_167 = arith.addf %add3A_166, %min3A_151 : vector<128x512xf32>
    %convert_element_type3A_168 = arith.fptosi %add3A_167 : vector<128x512xf32> to vector<128x512xi32>
    %mul3A_169 = arith.mulf %div3A, %sub3A_119 : vector<128x512xf32>
    %mul3A_170 = arith.mulf %mul3A_169, %sub3A_122 : vector<128x512xf32>
    %mul3A_171 = arith.mulf %mul3A_170, %convert_element_type3A_146 : vector<128x512xf32>
    %shift_left3A_172 = arith.constant 16 : i32
    %shift_left3A_173 = vector.broadcast %shift_left3A_172 : i32 to vector<128x512xi32>
    %shift_left3A_174 = arith.shli %convert_element_type3A_168, %shift_left3A_173 : vector<128x512xi32>
    %bitcast_convert_type3A_175 = tpu.bitcast %mul3A_171 : vector<128x512xf32> -> vector<128x512xi32>
    %add3A_176 = arith.constant 32767 : i32
    %add3A_177 = vector.broadcast %add3A_176 : i32 to vector<128x512xi32>
    %add3A_178 = arith.addi %bitcast_convert_type3A_175, %add3A_177 : vector<128x512xi32>
    %shift_right_arithmetic3A_179 = arith.constant 16 : i32
    %shift_right_arithmetic3A_180 = vector.broadcast %shift_right_arithmetic3A_179 : i32 to vector<128x512xi32>
    %shift_right_arithmetic3A_181 = arith.shrsi %bitcast_convert_type3A_175, %shift_right_arithmetic3A_180 : vector<128x512xi32>
    %and3A_182 = arith.constant 1 : i32
    %and3A_183 = vector.broadcast %and3A_182 : i32 to vector<128x512xi32>
    %and3A_184 = arith.andi %shift_right_arithmetic3A_181, %and3A_183 : vector<128x512xi32>
    %add3A_185 = arith.addi %add3A_178, %and3A_184 : vector<128x512xi32>
    %shift_right_arithmetic3A_186 = arith.constant 16 : i32
    %shift_right_arithmetic3A_187 = vector.broadcast %shift_right_arithmetic3A_186 : i32 to vector<128x512xi32>
    %shift_right_arithmetic3A_188 = arith.shrsi %add3A_185, %shift_right_arithmetic3A_187 : vector<128x512xi32>
    %or3A_189 = arith.ori %shift_left3A_174, %shift_right_arithmetic3A_188 : vector<128x512xi32>
    %swap3A_190 = arith.constant 0 : index
    %swap3A_191 = arith.constant 0 : index
    %swap3A_192 = arith.constant 0 : index
    %swap3A_193 = vector.load %arg19[%swap3A_190, %swap3A_191, %swap3A_192] : memref<1x512x512xi32, #tpu.memory_space<vmem>>, vector<1x128x512xi32>
    %swap3A_194 = vector.shape_cast %swap3A_193 : vector<1x128x512xi32> to vector<128x512xi32>
    %swap3A_195 = vector.shape_cast %or3A_189 : vector<128x512xi32> to vector<1x128x512xi32>
    tpu.vector_store %arg19[%swap3A_190, %swap3A_191, %swap3A_192], %swap3A_195 {strides = array<i32>} : memref<1x512x512xi32, #tpu.memory_space<vmem>>, vector<1x128x512xi32>,
    %add3A_196 = arith.constant 1.000000e+00 : f32
    %add3A_197 = vector.broadcast %add3A_196 : f32 to vector<128x512xf32>
    %add3A_198 = arith.addf %floor3A, %add3A_197 : vector<128x512xf32>
    %add3A_199 = arith.constant 0.000000e+00 : f32
    %add3A_200 = vector.broadcast %add3A_199 : f32 to vector<128x512xf32>
    %add3A_201 = arith.addf %floor3A_114, %add3A_200 : vector<128x512xf32>
    %ge3A_202 = arith.constant 0.000000e+00 : f32
    %ge3A_203 = vector.broadcast %ge3A_202 : f32 to vector<128x512xf32>
    %ge3A_204 = arith.cmpf oge, %add3A_198, %ge3A_203 : vector<128x512xf32>
    %sub3A_205 = arith.constant 1.000000e+00 : f32
    %sub3A_206 = vector.broadcast %sub3A_205 : f32 to vector<128x1xf32>
    %sub3A_207 = arith.subf %get3A_110, %sub3A_206 : vector<128x1xf32>
    %le3A_208 = vector.broadcast %sub3A_207 : vector<128x1xf32> to vector<128x512xf32>
    %le3A_209 = arith.cmpf ole, %add3A_198, %le3A_208 : vector<128x512xf32>
    %and3A_210 = arith.andi %ge3A_204, %le3A_209 : vector<128x512xi1>
    %ge3A_211 = arith.constant 0.000000e+00 : f32
    %ge3A_212 = vector.broadcast %ge3A_211 : f32 to vector<128x512xf32>
    %ge3A_213 = arith.cmpf oge, %add3A_201, %ge3A_212 : vector<128x512xf32>
    %and3A_214 = arith.andi %and3A_210, %ge3A_213 : vector<128x512xi1>
    %sub3A_215 = arith.constant 1.000000e+00 : f32
    %sub3A_216 = vector.broadcast %sub3A_215 : f32 to vector<128x1xf32>
    %sub3A_217 = arith.subf %get3A_113, %sub3A_216 : vector<128x1xf32>
    %le3A_218 = vector.broadcast %sub3A_217 : vector<128x1xf32> to vector<128x512xf32>
    %le3A_219 = arith.cmpf ole, %add3A_201, %le3A_218 : vector<128x512xf32>
    %and3A_220 = arith.andi %and3A_214, %le3A_219 : vector<128x512xi1>
    %convert_element_type3A_221 = arith.extui %and3A_220 : vector<128x512xi1> to vector<128x512xi32>
    %convert_element_type3A_222 = arith.sitofp %convert_element_type3A_221 : vector<128x512xi32> to vector<128x512xf32>
    %sub3A_223 = arith.constant 1.000000e+00 : f32
    %sub3A_224 = vector.broadcast %sub3A_223 : f32 to vector<128x1xf32>
    %sub3A_225 = arith.subf %get3A_110, %sub3A_224 : vector<128x1xf32>
    %jit3A_226 = arith.constant 0.000000e+00 : f32
    %max3A_227 = vector.broadcast %jit3A_226 : f32 to vector<128x512xf32>
    %max3A_228 = arith.maximumf %max3A_227, %add3A_198 : vector<128x512xf32>
    %min3A_229 = vector.broadcast %sub3A_225 : vector<128x1xf32> to vector<128x512xf32>
    %min3A_230 = arith.minimumf %min3A_229, %max3A_228 : vector<128x512xf32>
    %sub3A_231 = arith.constant 1.000000e+00 : f32
    %sub3A_232 = vector.broadcast %sub3A_231 : f32 to vector<128x1xf32>
    %sub3A_233 = arith.subf %get3A_113, %sub3A_232 : vector<128x1xf32>
    %jit3A_234 = arith.constant 0.000000e+00 : f32
    %max3A_235 = vector.broadcast %jit3A_234 : f32 to vector<128x512xf32>
    %max3A_236 = arith.maximumf %max3A_235, %add3A_201 : vector<128x512xf32>
    %min3A_237 = vector.broadcast %sub3A_233 : vector<128x1xf32> to vector<128x512xf32>
    %min3A_238 = arith.minimumf %min3A_237, %max3A_236 : vector<128x512xf32>
    %get3A_239 = arith.constant 0 : index
    %get3A_240 = arith.constant 0 : index
    %get3A_241 = vector.load %arg17[%get3A_239, %get3A_240] : memref<128x1xf32, #tpu.memory_space<vmem>>, vector<128x1xf32>
    %mul3A_242 = vector.broadcast %get3A_110 : vector<128x1xf32> to vector<128x512xf32>
    %mul3A_243 = arith.mulf %min3A_238, %mul3A_242 : vector<128x512xf32>
    %add3A_244 = vector.broadcast %get3A_241 : vector<128x1xf32> to vector<128x512xf32>
    %add3A_245 = arith.addf %add3A_244, %mul3A_243 : vector<128x512xf32>
    %add3A_246 = arith.addf %add3A_245, %min3A_230 : vector<128x512xf32>
    %convert_element_type3A_247 = arith.fptosi %add3A_246 : vector<128x512xf32> to vector<128x512xi32>
    %mul3A_248 = arith.mulf %div3A, %sub3A_115 : vector<128x512xf32>
    %mul3A_249 = arith.mulf %mul3A_248, %sub3A_122 : vector<128x512xf32>
    %mul3A_250 = arith.mulf %mul3A_249, %convert_element_type3A_222 : vector<128x512xf32>
    %shift_left3A_251 = arith.constant 16 : i32
    %shift_left3A_252 = vector.broadcast %shift_left3A_251 : i32 to vector<128x512xi32>
    %shift_left3A_253 = arith.shli %convert_element_type3A_247, %shift_left3A_252 : vector<128x512xi32>
    %bitcast_convert_type3A_254 = tpu.bitcast %mul3A_250 : vector<128x512xf32> -> vector<128x512xi32>
    %add3A_255 = arith.constant 32767 : i32
    %add3A_256 = vector.broadcast %add3A_255 : i32 to vector<128x512xi32>
    %add3A_257 = arith.addi %bitcast_convert_type3A_254, %add3A_256 : vector<128x512xi32>
    %shift_right_arithmetic3A_258 = arith.constant 16 : i32
    %shift_right_arithmetic3A_259 = vector.broadcast %shift_right_arithmetic3A_258 : i32 to vector<128x512xi32>
    %shift_right_arithmetic3A_260 = arith.shrsi %bitcast_convert_type3A_254, %shift_right_arithmetic3A_259 : vector<128x512xi32>
    %and3A_261 = arith.constant 1 : i32
    %and3A_262 = vector.broadcast %and3A_261 : i32 to vector<128x512xi32>
    %and3A_263 = arith.andi %shift_right_arithmetic3A_260, %and3A_262 : vector<128x512xi32>
    %add3A_264 = arith.addi %add3A_257, %and3A_263 : vector<128x512xi32>
    %shift_right_arithmetic3A_265 = arith.constant 16 : i32
    %shift_right_arithmetic3A_266 = vector.broadcast %shift_right_arithmetic3A_265 : i32 to vector<128x512xi32>
    %shift_right_arithmetic3A_267 = arith.shrsi %add3A_264, %shift_right_arithmetic3A_266 : vector<128x512xi32>
    %or3A_268 = arith.ori %shift_left3A_253, %shift_right_arithmetic3A_267 : vector<128x512xi32>
    %swap3A_269 = arith.constant 0 : index
    %swap3A_270 = arith.constant 128 : index
    %swap3A_271 = arith.constant 0 : index
    %swap3A_272 = vector.load %arg19[%swap3A_269, %swap3A_270, %swap3A_271] : memref<1x512x512xi32, #tpu.memory_space<vmem>>, vector<1x128x512xi32>
    %swap3A_273 = vector.shape_cast %swap3A_272 : vector<1x128x512xi32> to vector<128x512xi32>
    %swap3A_274 = vector.shape_cast %or3A_268 : vector<128x512xi32> to vector<1x128x512xi32>
    tpu.vector_store %arg19[%swap3A_269, %swap3A_270, %swap3A_271], %swap3A_274 {strides = array<i32>} : memref<1x512x512xi32, #tpu.memory_space<vmem>>, vector<1x128x512xi32>,
    %add3A_275 = arith.constant 0.000000e+00 : f32
    %add3A_276 = vector.broadcast %add3A_275 : f32 to vector<128x512xf32>
    %add3A_277 = arith.addf %floor3A, %add3A_276 : vector<128x512xf32>
    %add3A_278 = arith.constant 1.000000e+00 : f32
    %add3A_279 = vector.broadcast %add3A_278 : f32 to vector<128x512xf32>
    %add3A_280 = arith.addf %floor3A_114, %add3A_279 : vector<128x512xf32>
    %ge3A_281 = arith.constant 0.000000e+00 : f32
    %ge3A_282 = vector.broadcast %ge3A_281 : f32 to vector<128x512xf32>
    %ge3A_283 = arith.cmpf oge, %add3A_277, %ge3A_282 : vector<128x512xf32>
    %sub3A_284 = arith.constant 1.000000e+00 : f32
    %sub3A_285 = vector.broadcast %sub3A_284 : f32 to vector<128x1xf32>
    %sub3A_286 = arith.subf %get3A_110, %sub3A_285 : vector<128x1xf32>
    %le3A_287 = vector.broadcast %sub3A_286 : vector<128x1xf32> to vector<128x512xf32>
    %le3A_288 = arith.cmpf ole, %add3A_277, %le3A_287 : vector<128x512xf32>
    %and3A_289 = arith.andi %ge3A_283, %le3A_288 : vector<128x512xi1>
    %ge3A_290 = arith.constant 0.000000e+00 : f32
    %ge3A_291 = vector.broadcast %ge3A_290 : f32 to vector<128x512xf32>
    %ge3A_292 = arith.cmpf oge, %add3A_280, %ge3A_291 : vector<128x512xf32>
    %and3A_293 = arith.andi %and3A_289, %ge3A_292 : vector<128x512xi1>
    %sub3A_294 = arith.constant 1.000000e+00 : f32
    %sub3A_295 = vector.broadcast %sub3A_294 : f32 to vector<128x1xf32>
    %sub3A_296 = arith.subf %get3A_113, %sub3A_295 : vector<128x1xf32>
    %le3A_297 = vector.broadcast %sub3A_296 : vector<128x1xf32> to vector<128x512xf32>
    %le3A_298 = arith.cmpf ole, %add3A_280, %le3A_297 : vector<128x512xf32>
    %and3A_299 = arith.andi %and3A_293, %le3A_298 : vector<128x512xi1>
    %convert_element_type3A_300 = arith.extui %and3A_299 : vector<128x512xi1> to vector<128x512xi32>
    %convert_element_type3A_301 = arith.sitofp %convert_element_type3A_300 : vector<128x512xi32> to vector<128x512xf32>
    %sub3A_302 = arith.constant 1.000000e+00 : f32
    %sub3A_303 = vector.broadcast %sub3A_302 : f32 to vector<128x1xf32>
    %sub3A_304 = arith.subf %get3A_110, %sub3A_303 : vector<128x1xf32>
    %jit3A_305 = arith.constant 0.000000e+00 : f32
    %max3A_306 = vector.broadcast %jit3A_305 : f32 to vector<128x512xf32>
    %max3A_307 = arith.maximumf %max3A_306, %add3A_277 : vector<128x512xf32>
    %min3A_308 = vector.broadcast %sub3A_304 : vector<128x1xf32> to vector<128x512xf32>
    %min3A_309 = arith.minimumf %min3A_308, %max3A_307 : vector<128x512xf32>
    %sub3A_310 = arith.constant 1.000000e+00 : f32
    %sub3A_311 = vector.broadcast %sub3A_310 : f32 to vector<128x1xf32>
    %sub3A_312 = arith.subf %get3A_113, %sub3A_311 : vector<128x1xf32>
    %jit3A_313 = arith.constant 0.000000e+00 : f32
    %max3A_314 = vector.broadcast %jit3A_313 : f32 to vector<128x512xf32>
    %max3A_315 = arith.maximumf %max3A_314, %add3A_280 : vector<128x512xf32>
    %min3A_316 = vector.broadcast %sub3A_312 : vector<128x1xf32> to vector<128x512xf32>
    %min3A_317 = arith.minimumf %min3A_316, %max3A_315 : vector<128x512xf32>
    %get3A_318 = arith.constant 0 : index
    %get3A_319 = arith.constant 0 : index
    %get3A_320 = vector.load %arg17[%get3A_318, %get3A_319] : memref<128x1xf32, #tpu.memory_space<vmem>>, vector<128x1xf32>
    %mul3A_321 = vector.broadcast %get3A_110 : vector<128x1xf32> to vector<128x512xf32>
    %mul3A_322 = arith.mulf %min3A_317, %mul3A_321 : vector<128x512xf32>
    %add3A_323 = vector.broadcast %get3A_320 : vector<128x1xf32> to vector<128x512xf32>
    %add3A_324 = arith.addf %add3A_323, %mul3A_322 : vector<128x512xf32>
    %add3A_325 = arith.addf %add3A_324, %min3A_309 : vector<128x512xf32>
    %convert_element_type3A_326 = arith.fptosi %add3A_325 : vector<128x512xf32> to vector<128x512xi32>
    %mul3A_327 = arith.mulf %div3A, %sub3A_119 : vector<128x512xf32>
    %mul3A_328 = arith.mulf %mul3A_327, %sub3A_116 : vector<128x512xf32>
    %mul3A_329 = arith.mulf %mul3A_328, %convert_element_type3A_301 : vector<128x512xf32>
    %shift_left3A_330 = arith.constant 16 : i32
    %shift_left3A_331 = vector.broadcast %shift_left3A_330 : i32 to vector<128x512xi32>
    %shift_left3A_332 = arith.shli %convert_element_type3A_326, %shift_left3A_331 : vector<128x512xi32>
    %bitcast_convert_type3A_333 = tpu.bitcast %mul3A_329 : vector<128x512xf32> -> vector<128x512xi32>
    %add3A_334 = arith.constant 32767 : i32
    %add3A_335 = vector.broadcast %add3A_334 : i32 to vector<128x512xi32>
    %add3A_336 = arith.addi %bitcast_convert_type3A_333, %add3A_335 : vector<128x512xi32>
    %shift_right_arithmetic3A_337 = arith.constant 16 : i32
    %shift_right_arithmetic3A_338 = vector.broadcast %shift_right_arithmetic3A_337 : i32 to vector<128x512xi32>
    %shift_right_arithmetic3A_339 = arith.shrsi %bitcast_convert_type3A_333, %shift_right_arithmetic3A_338 : vector<128x512xi32>
    %and3A_340 = arith.constant 1 : i32
    %and3A_341 = vector.broadcast %and3A_340 : i32 to vector<128x512xi32>
    %and3A_342 = arith.andi %shift_right_arithmetic3A_339, %and3A_341 : vector<128x512xi32>
    %add3A_343 = arith.addi %add3A_336, %and3A_342 : vector<128x512xi32>
    %shift_right_arithmetic3A_344 = arith.constant 16 : i32
    %shift_right_arithmetic3A_345 = vector.broadcast %shift_right_arithmetic3A_344 : i32 to vector<128x512xi32>
    %shift_right_arithmetic3A_346 = arith.shrsi %add3A_343, %shift_right_arithmetic3A_345 : vector<128x512xi32>
    %or3A_347 = arith.ori %shift_left3A_332, %shift_right_arithmetic3A_346 : vector<128x512xi32>
    %swap3A_348 = arith.constant 0 : index
    %swap3A_349 = arith.constant 256 : index
    %swap3A_350 = arith.constant 0 : index
    %swap3A_351 = vector.load %arg19[%swap3A_348, %swap3A_349, %swap3A_350] : memref<1x512x512xi32, #tpu.memory_space<vmem>>, vector<1x128x512xi32>
    %swap3A_352 = vector.shape_cast %swap3A_351 : vector<1x128x512xi32> to vector<128x512xi32>
    %swap3A_353 = vector.shape_cast %or3A_347 : vector<128x512xi32> to vector<1x128x512xi32>
    tpu.vector_store %arg19[%swap3A_348, %swap3A_349, %swap3A_350], %swap3A_353 {strides = array<i32>} : memref<1x512x512xi32, #tpu.memory_space<vmem>>, vector<1x128x512xi32>,
    %add3A_354 = arith.constant 1.000000e+00 : f32
    %add3A_355 = vector.broadcast %add3A_354 : f32 to vector<128x512xf32>
    %add3A_356 = arith.addf %floor3A, %add3A_355 : vector<128x512xf32>
    %add3A_357 = arith.constant 1.000000e+00 : f32
    %add3A_358 = vector.broadcast %add3A_357 : f32 to vector<128x512xf32>
    %add3A_359 = arith.addf %floor3A_114, %add3A_358 : vector<128x512xf32>
    %ge3A_360 = arith.constant 0.000000e+00 : f32
    %ge3A_361 = vector.broadcast %ge3A_360 : f32 to vector<128x512xf32>
    %ge3A_362 = arith.cmpf oge, %add3A_356, %ge3A_361 : vector<128x512xf32>
    %sub3A_363 = arith.constant 1.000000e+00 : f32
    %sub3A_364 = vector.broadcast %sub3A_363 : f32 to vector<128x1xf32>
    %sub3A_365 = arith.subf %get3A_110, %sub3A_364 : vector<128x1xf32>
    %le3A_366 = vector.broadcast %sub3A_365 : vector<128x1xf32> to vector<128x512xf32>
    %le3A_367 = arith.cmpf ole, %add3A_356, %le3A_366 : vector<128x512xf32>
    %and3A_368 = arith.andi %ge3A_362, %le3A_367 : vector<128x512xi1>
    %ge3A_369 = arith.constant 0.000000e+00 : f32
    %ge3A_370 = vector.broadcast %ge3A_369 : f32 to vector<128x512xf32>
    %ge3A_371 = arith.cmpf oge, %add3A_359, %ge3A_370 : vector<128x512xf32>
    %and3A_372 = arith.andi %and3A_368, %ge3A_371 : vector<128x512xi1>
    %sub3A_373 = arith.constant 1.000000e+00 : f32
    %sub3A_374 = vector.broadcast %sub3A_373 : f32 to vector<128x1xf32>
    %sub3A_375 = arith.subf %get3A_113, %sub3A_374 : vector<128x1xf32>
    %le3A_376 = vector.broadcast %sub3A_375 : vector<128x1xf32> to vector<128x512xf32>
    %le3A_377 = arith.cmpf ole, %add3A_359, %le3A_376 : vector<128x512xf32>
    %and3A_378 = arith.andi %and3A_372, %le3A_377 : vector<128x512xi1>
    %convert_element_type3A_379 = arith.extui %and3A_378 : vector<128x512xi1> to vector<128x512xi32>
    %convert_element_type3A_380 = arith.sitofp %convert_element_type3A_379 : vector<128x512xi32> to vector<128x512xf32>
    %sub3A_381 = arith.constant 1.000000e+00 : f32
    %sub3A_382 = vector.broadcast %sub3A_381 : f32 to vector<128x1xf32>
    %sub3A_383 = arith.subf %get3A_110, %sub3A_382 : vector<128x1xf32>
    %jit3A_384 = arith.constant 0.000000e+00 : f32
    %max3A_385 = vector.broadcast %jit3A_384 : f32 to vector<128x512xf32>
    %max3A_386 = arith.maximumf %max3A_385, %add3A_356 : vector<128x512xf32>
    %min3A_387 = vector.broadcast %sub3A_383 : vector<128x1xf32> to vector<128x512xf32>
    %min3A_388 = arith.minimumf %min3A_387, %max3A_386 : vector<128x512xf32>
    %sub3A_389 = arith.constant 1.000000e+00 : f32
    %sub3A_390 = vector.broadcast %sub3A_389 : f32 to vector<128x1xf32>
    %sub3A_391 = arith.subf %get3A_113, %sub3A_390 : vector<128x1xf32>
    %jit3A_392 = arith.constant 0.000000e+00 : f32
    %max3A_393 = vector.broadcast %jit3A_392 : f32 to vector<128x512xf32>
    %max3A_394 = arith.maximumf %max3A_393, %add3A_359 : vector<128x512xf32>
    %min3A_395 = vector.broadcast %sub3A_391 : vector<128x1xf32> to vector<128x512xf32>
    %min3A_396 = arith.minimumf %min3A_395, %max3A_394 : vector<128x512xf32>
    %get3A_397 = arith.constant 0 : index
    %get3A_398 = arith.constant 0 : index
    %get3A_399 = vector.load %arg17[%get3A_397, %get3A_398] : memref<128x1xf32, #tpu.memory_space<vmem>>, vector<128x1xf32>
    %mul3A_400 = vector.broadcast %get3A_110 : vector<128x1xf32> to vector<128x512xf32>
    %mul3A_401 = arith.mulf %min3A_396, %mul3A_400 : vector<128x512xf32>
    %add3A_402 = vector.broadcast %get3A_399 : vector<128x1xf32> to vector<128x512xf32>
    %add3A_403 = arith.addf %add3A_402, %mul3A_401 : vector<128x512xf32>
    %add3A_404 = arith.addf %add3A_403, %min3A_388 : vector<128x512xf32>
    %convert_element_type3A_405 = arith.fptosi %add3A_404 : vector<128x512xf32> to vector<128x512xi32>
    %mul3A_406 = arith.mulf %div3A, %sub3A_115 : vector<128x512xf32>
    %mul3A_407 = arith.mulf %mul3A_406, %sub3A_116 : vector<128x512xf32>
    %mul3A_408 = arith.mulf %mul3A_407, %convert_element_type3A_380 : vector<128x512xf32>
    %shift_left3A_409 = arith.constant 16 : i32
    %shift_left3A_410 = vector.broadcast %shift_left3A_409 : i32 to vector<128x512xi32>
    %shift_left3A_411 = arith.shli %convert_element_type3A_405, %shift_left3A_410 : vector<128x512xi32>
    %bitcast_convert_type3A_412 = tpu.bitcast %mul3A_408 : vector<128x512xf32> -> vector<128x512xi32>
    %add3A_413 = arith.constant 32767 : i32
    %add3A_414 = vector.broadcast %add3A_413 : i32 to vector<128x512xi32>
    %add3A_415 = arith.addi %bitcast_convert_type3A_412, %add3A_414 : vector<128x512xi32>
    %shift_right_arithmetic3A_416 = arith.constant 16 : i32
    %shift_right_arithmetic3A_417 = vector.broadcast %shift_right_arithmetic3A_416 : i32 to vector<128x512xi32>
    %shift_right_arithmetic3A_418 = arith.shrsi %bitcast_convert_type3A_412, %shift_right_arithmetic3A_417 : vector<128x512xi32>
    %and3A_419 = arith.constant 1 : i32
    %and3A_420 = vector.broadcast %and3A_419 : i32 to vector<128x512xi32>
    %and3A_421 = arith.andi %shift_right_arithmetic3A_418, %and3A_420 : vector<128x512xi32>
    %add3A_422 = arith.addi %add3A_415, %and3A_421 : vector<128x512xi32>
    %shift_right_arithmetic3A_423 = arith.constant 16 : i32
    %shift_right_arithmetic3A_424 = vector.broadcast %shift_right_arithmetic3A_423 : i32 to vector<128x512xi32>
    %shift_right_arithmetic3A_425 = arith.shrsi %add3A_422, %shift_right_arithmetic3A_424 : vector<128x512xi32>
    %or3A_426 = arith.ori %shift_left3A_411, %shift_right_arithmetic3A_425 : vector<128x512xi32>
    %swap3A_427 = arith.constant 0 : index
    %swap3A_428 = arith.constant 384 : index
    %swap3A_429 = arith.constant 0 : index
    %swap3A_430 = vector.load %arg19[%swap3A_427, %swap3A_428, %swap3A_429] : memref<1x512x512xi32, #tpu.memory_space<vmem>>, vector<1x128x512xi32>
    %swap3A_431 = vector.shape_cast %swap3A_430 : vector<1x128x512xi32> to vector<128x512xi32>
    %swap3A_432 = vector.shape_cast %or3A_426 : vector<128x512xi32> to vector<1x128x512xi32>
    tpu.vector_store %arg19[%swap3A_427, %swap3A_428, %swap3A_429], %swap3A_432 {strides = array<i32>} : memref<1x512x512xi32, #tpu.memory_space<vmem>>, vector<1x128x512xi32>,
    return
  }
  func.func @transform_0(%arg0: i32, %arg1: i32) -> (i32, i32, i32) {
    %c0_i32 = arith.constant 0 : i32
    %c0_i32_0 = arith.constant 0 : i32
    return %arg0, %c0_i32, %arg1 : i32, i32, i32
  }
  func.func @transform_1(%arg0: i32, %arg1: i32) -> (i32, i32, i32) {
    %c0_i32 = arith.constant 0 : i32
    %c0_i32_0 = arith.constant 0 : i32
    return %arg0, %c0_i32, %arg1 : i32, i32, i32
  }
  func.func @transform_2(%arg0: i32, %arg1: i32) -> (i32, i32, i32) {
    %c0_i32 = arith.constant 0 : i32
    %c0_i32_0 = arith.constant 0 : i32
    return %arg0, %c0_i32, %arg1 : i32, i32, i32
  }
  func.func @transform_3(%arg0: i32, %arg1: i32) -> (i32, i32) {
    %c0_i32 = arith.constant 0 : i32
    %c0_i32_0 = arith.constant 0 : i32
    %c0_i32_1 = arith.constant 0 : i32
    return %c0_i32, %c0_i32_0 : i32, i32
  }
  func.func @transform_4(%arg0: i32, %arg1: i32) -> (i32, i32) {
    %c0_i32 = arith.constant 0 : i32
    %c0_i32_0 = arith.constant 0 : i32
    %c0_i32_1 = arith.constant 0 : i32
    return %c0_i32, %c0_i32_0 : i32, i32
  }
  func.func @transform_5(%arg0: i32, %arg1: i32) -> (i32, i32) {
    %c0_i32 = arith.constant 0 : i32
    %c0_i32_0 = arith.constant 0 : i32
    %c0_i32_1 = arith.constant 0 : i32
    return %c0_i32, %c0_i32_0 : i32, i32
  }
  func.func @transform_6(%arg0: i32, %arg1: i32) -> (i32, i32) {
    %c0_i32 = arith.constant 0 : i32
    %c0_i32_0 = arith.constant 0 : i32
    %c0_i32_1 = arith.constant 0 : i32
    return %c0_i32, %c0_i32_0 : i32, i32
  }
  func.func @transform_7(%arg0: i32, %arg1: i32) -> (i32, i32) {
    %c0_i32 = arith.constant 0 : i32
    %c0_i32_0 = arith.constant 0 : i32
    %c0_i32_1 = arith.constant 0 : i32
    return %c0_i32, %c0_i32_0 : i32, i32
  }
  func.func @transform_8(%arg0: i32, %arg1: i32) -> (i32, i32) {
    %c0_i32 = arith.constant 0 : i32
    %c0_i32_0 = arith.constant 0 : i32
    %c0_i32_1 = arith.constant 0 : i32
    return %c0_i32, %c0_i32_0 : i32, i32
  }
  func.func @transform_9(%arg0: i32, %arg1: i32) -> (i32, i32) {
    %c0_i32 = arith.constant 0 : i32
    %c0_i32_0 = arith.constant 0 : i32
    %c0_i32_1 = arith.constant 0 : i32
    return %c0_i32, %c0_i32_0 : i32, i32
  }
  func.func @transform_10(%arg0: i32, %arg1: i32) -> (i32, i32) {
    %c0_i32 = arith.constant 0 : i32
    %c0_i32_0 = arith.constant 0 : i32
    %c0_i32_1 = arith.constant 0 : i32
    return %c0_i32, %c0_i32_0 : i32, i32
  }
  func.func @transform_11(%arg0: i32, %arg1: i32) -> (i32, i32) {
    %c0_i32 = arith.constant 0 : i32
    %c0_i32_0 = arith.constant 0 : i32
    %c0_i32_1 = arith.constant 0 : i32
    return %c0_i32, %c0_i32_0 : i32, i32
  }
  func.func @transform_12(%arg0: i32, %arg1: i32) -> (i32, i32) {
    %c0_i32 = arith.constant 0 : i32
    %c0_i32_0 = arith.constant 0 : i32
    %c0_i32_1 = arith.constant 0 : i32
    return %c0_i32, %c0_i32_0 : i32, i32
  }
  func.func @transform_13(%arg0: i32, %arg1: i32) -> (i32, i32) {
    %c0_i32 = arith.constant 0 : i32
    %c0_i32_0 = arith.constant 0 : i32
    %c0_i32_1 = arith.constant 0 : i32
    return %c0_i32, %c0_i32_0 : i32, i32
  }
  func.func @transform_14(%arg0: i32, %arg1: i32) -> (i32, i32) {
    %c0_i32 = arith.constant 0 : i32
    %c0_i32_0 = arith.constant 0 : i32
    %c0_i32_1 = arith.constant 0 : i32
    return %c0_i32, %c0_i32_0 : i32, i32
  }
  func.func @transform_15(%arg0: i32, %arg1: i32) -> (i32, i32) {
    %c0_i32 = arith.constant 0 : i32
    %c0_i32_0 = arith.constant 0 : i32
    %c0_i32_1 = arith.constant 0 : i32
    return %c0_i32, %c0_i32_0 : i32, i32
  }
  func.func @transform_16(%arg0: i32, %arg1: i32) -> (i32, i32) {
    %c0_i32 = arith.constant 0 : i32
    %c0_i32_0 = arith.constant 0 : i32
    %c0_i32_1 = arith.constant 0 : i32
    return %c0_i32, %c0_i32_0 : i32, i32
  }
  func.func @transform_17(%arg0: i32, %arg1: i32) -> (i32, i32, i32) {
    %c0_i32 = arith.constant 0 : i32
    %c0_i32_0 = arith.constant 0 : i32
    return %arg0, %c0_i32, %arg1 : i32, i32, i32
  }
  func.func @transform_18(%arg0: i32, %arg1: i32) -> (i32, i32, i32) {
    %c0_i32 = arith.constant 0 : i32
    %c0_i32_0 = arith.constant 0 : i32
    return %arg0, %c0_i32, %arg1 : i32, i32, i32
  }
}

module attributes {stable_mosaic.version = 14 : i64} {
  func.func @_proj_body(%arg0: i32, %arg1: i32, %arg2: memref<1x680x256xf32, #tpu.memory_space<vmem>>, %arg3: memref<256x256xf32, #tpu.memory_space<vmem>>, %arg4: memref<1x256xf32, #tpu.memory_space<vmem>>, %arg5: memref<1x680x256xf32, #tpu.memory_space<vmem>>) attributes {dimension_semantics = [#tpu.dimension_semantics<arbitrary>, #tpu.dimension_semantics<arbitrary>], iteration_bounds = array<i64: 2, 8>, scalar_prefetch = 0 : i64, scratch_operands = 0 : i64, tpu.core_type = #tpu.core_type<tc>, window_params = [{transform_indices = @transform_0, window_bounds = array<i64: 1, 680, 256>}, {pipeline_mode = #tpu.pipeline_mode<synchronous>, transform_indices = @transform_1, window_bounds = array<i64: 256, 256>}, {pipeline_mode = #tpu.pipeline_mode<synchronous>, transform_indices = @transform_2, window_bounds = array<i64: 1, 256>}, {transform_indices = @transform_3, window_bounds = array<i64: 1, 680, 256>}]} {
    %get3A = arith.constant 0 : index
    %get3A_0 = arith.constant 0 : index
    %get3A_1 = arith.constant 0 : index
    %get3A_2 = vector.load %arg2[%get3A, %get3A_0, %get3A_1] : memref<1x680x256xf32, #tpu.memory_space<vmem>>, vector<1x680x256xf32>
    %get3A_3 = vector.shape_cast %get3A_2 : vector<1x680x256xf32> to vector<680x256xf32>
    %get3A_4 = arith.constant 0 : index
    %get3A_5 = arith.constant 0 : index
    %get3A_6 = vector.load %arg3[%get3A_4, %get3A_5] : memref<256x256xf32, #tpu.memory_space<vmem>>, vector<256x256xf32>
    %dot_general3A = arith.constant dense<0.000000e+00> : vector<680x256xf32>
    %dot_general3A_7 = tpu.matmul %get3A_3, %get3A_6, %dot_general3A {dimension_numbers = #tpu.dot_dimension_numbers<[1], [0], [0], [1], [0, 0, 1, 1], [], []>, transpose_lhs_hint = false} : vector<680x256xf32>, vector<256x256xf32>, vector<680x256xf32> -> vector<680x256xf32>
    %get3A_8 = arith.constant 0 : index
    %get3A_9 = arith.constant 0 : index
    %get3A_10 = vector.load %arg4[%get3A_8, %get3A_9] : memref<1x256xf32, #tpu.memory_space<vmem>>, vector<1x256xf32>
    %add3A = vector.broadcast %get3A_10 : vector<1x256xf32> to vector<680x256xf32>
    %add3A_11 = arith.addf %dot_general3A_7, %add3A : vector<680x256xf32>
    %swap3A = arith.constant 0 : index
    %swap3A_12 = arith.constant 0 : index
    %swap3A_13 = arith.constant 0 : index
    %swap3A_14 = vector.load %arg5[%swap3A, %swap3A_12, %swap3A_13] : memref<1x680x256xf32, #tpu.memory_space<vmem>>, vector<1x680x256xf32>
    %swap3A_15 = vector.shape_cast %swap3A_14 : vector<1x680x256xf32> to vector<680x256xf32>
    %swap3A_16 = vector.shape_cast %add3A_11 : vector<680x256xf32> to vector<1x680x256xf32>
    tpu.vector_store %arg5[%swap3A, %swap3A_12, %swap3A_13], %swap3A_16 {strides = array<i32>} : memref<1x680x256xf32, #tpu.memory_space<vmem>>, vector<1x680x256xf32>,
    return
  }
  func.func @transform_0(%arg0: i32, %arg1: i32) -> (i32, i32, i32) {
    %c0_i32 = arith.constant 0 : i32
    %c0_i32_0 = arith.constant 0 : i32
    return %arg0, %arg1, %c0_i32 : i32, i32, i32
  }
  func.func @transform_1(%arg0: i32, %arg1: i32) -> (i32, i32) {
    %c0_i32 = arith.constant 0 : i32
    %c0_i32_0 = arith.constant 0 : i32
    %c0_i32_1 = arith.constant 0 : i32
    return %c0_i32, %c0_i32_0 : i32, i32
  }
  func.func @transform_2(%arg0: i32, %arg1: i32) -> (i32, i32) {
    %c0_i32 = arith.constant 0 : i32
    %c0_i32_0 = arith.constant 0 : i32
    %c0_i32_1 = arith.constant 0 : i32
    return %c0_i32, %c0_i32_0 : i32, i32
  }
  func.func @transform_3(%arg0: i32, %arg1: i32) -> (i32, i32, i32) {
    %c0_i32 = arith.constant 0 : i32
    %c0_i32_0 = arith.constant 0 : i32
    return %arg0, %arg1, %c0_i32 : i32, i32, i32
  }
}

</mosaic_0001>

<sc_bundles>
// kernel: kernel.5.cloned.1.call-start
scs
__scs_entry_jumppad:
0x0: {  	(pc) =	sbr.rel $0x88, $3  }
0x1: {  	(tag) =	ssettag $0x0;
	lr =	simm.s32 $0x1  }
0x2: {  	[smem:$0x3F96] =	sst lr;
	_ =	strace $0xD0000000  }
0x3: {  	_ = 	snop  }
0x4: {  	_ = 	snop  }
0x5: {  	_ = 	snop  }
0x6: {  	_ = 	snop  }
0x7: {  	_ = 	snop  }
__scs_overlays_trampoline_lowered:
0x8: {  	[smem:$0x3FA5] =	sst s0  }
0x9: {  	[smem:$0x3FA6] =	sst s1  }
0xa: {  	[smem:$0x3FA7] =	sst s2  }
0xb: {  	[smem:$0x3FA8] =	sst s3  }
0xc: {  	[smem:$0x3FA9] =	sst s4  }
0xd: {  	[smem:$0x3FAA] =	sst s5  }
0xe: {  	[smem:$0x3FAB] =	sst s6  }
0xf: {  	[smem:$0x3FAC] =	sst s7  }
0x10: {  	[smem:$0x3FAD] =	sst s8  }
0x11: {  	[smem:$0x3FAE] =	sst s9;
	s0 =	simm.s32 @!p0 $0x0  }
0x12: {  	s1 =	sld [smem:$0x3F94];
	s0 =	simm.s32 @p0 $0x1  }
0x13: {  	[smem:$0x3FAF] =	sst s0;
	s0 =	simm.s32 @!p1 $0x0  }
0x14: {  	s2 =	sld [smem:$0x3F93];
	s0 =	simm.s32 @p1 $0x1  }
0x15: {  	[smem:$0x3FB0] =	sst s0;
	s0 =	simm.s32 @!p2 $0x0  }
0x16: {  	s3 =	sld [smem:$0x3FDB];
	s0 =	simm.s32 @p2 $0x1  }
0x17: {  	s4 =	simm.s32 $0x1BF5;
	[smem:$0x3FB2] =	sst s0  }
0x18: {  	s0 =	sld [smem:$0x3F95];
	_ =	swait.ge [sflag:s4], $0x0  }
0x19: {  	s7 =	sld [smem:$0x3F96]  }
0x1a: {  	s8 =	sadd.s32 $0xFFFFE003, lr  }
0x1b: {  	s9 =	sadd.s32 $0xFFFFFEF7, lr;
	s5 =	simm.s32 $0xFFFFFFFF;
	p2 =	slt.u32 s8, $0xFFFFF086  }
0x1c: {  	p1 =	slt.u32 s9, $0xF7A;
	s5 =	simm.s32 @!p2 $0x0  }
0x1d: {  	s5 =	simm.s32 @p1 $0x1;
	p0 =	seq.s32 s7, s2  }
0x1e: {  	s7 =	smul.u32 @!p0 $0xF7A, s2;
	p2 =	seq.s32 @!p0 s5, $0x0  }
0x1f: {  	s9 =	smul.u32 $0xF7A, s1;
	s8 =	simm.s32 @!p0 $0x1BF5;
	p2 =	por !p2, p0  }
0x20: {  	[sflag:s8] =	ssyncset.s32 @!p0 $0xFFFFF086;
	s6 =	sadd.s32 @!p0 s3, s7;
	s7 =	simm.s32 @!p0 $0x108  }
0x21: {  	s3 =	sadd.s32 s3, s9;
	s6 =	sadd.s32 @!p0 $0x88, s6;
	s7 =	simm.s32 @p2 $0x1082  }
0x22: {  	[simem:s7], [sflag:s8] =	dma.local @!p0 [hbm:s6], $0xF7A  }
0x23: {  	s9 =	sor.u32 $0xD0000000, s2;
	s6 =	simm.s32 $0x108;
	_ =	swait.ge @!p0 [sflag:s8], $0x0  }
0x24: {  	s3 =	sadd.s32 $0x88, s3;
	s6 =	simm.s32 @!p1 $0x1082;
	[sflag:s4] =	ssyncset.s32 $0xFFFFF086  }
0x25: {  	[simem:s6], [sflag:s4] =	dma.local [hbm:s3], $0xF7A  }
0x26: {  	[smem:$0x3F96] =	sst s1;
	(tag) =	ssettag s2;
	_ =	strace s9  }
0x27: {  	s1 =	sld [smem:$0x3FA6]  }
0x28: {  	s2 =	sld [smem:$0x3FA7]  }
0x29: {  	s4 =	sld [smem:$0x3FA9]  }
0x2a: {  	p0 =	seq.s32 s5, $0x0;
	s5 =	sld [smem:$0x3FAA]  }
0x2b: {  	s6 =	sld [smem:$0x3FAB]  }
0x2c: {  	s7 =	sld [smem:$0x3FAC]  }
0x2d: {  	s3 =	simm.s32 $0x108;
	s8 =	sld [smem:$0x3FAD]  }
0x2e: {  	s3 =	simm.s32 @!p0 $0x1082;
	s9 =	sld [smem:$0x3FAE]  }
0x2f: {  	lr =	sadd.s32 s0, s3;
	s0 =	sld [smem:$0x3FA5]  }
0x30: {  	s3 =	sld [smem:$0x3FA8]  }
0x31: {  	[smem:$0x3FB1] =	sst s10  }
0x32: {  	s10 =	sld [smem:$0x3FAF];
	_ =	sdelay $0x3  }
0x33: {  	p0 =	seq.s32 s10, $0x1;
	s10 =	sld [smem:$0x3FB1];
	_ =	sdelay $0x3  }
0x34: {  	[smem:$0x3FB1] =	sst s10  }
0x35: {  	s10 =	sld [smem:$0x3FB0];
	_ =	sdelay $0x3  }
0x36: {  	p1 =	seq.s32 s10, $0x1;
	s10 =	sld [smem:$0x3FB1];
	_ =	sdelay $0x3  }
0x37: {  	[smem:$0x3FB1] =	sst s10  }
0x38: {  	s10 =	sld [smem:$0x3FB2]  }
0x39: {  	_ = 	snop;
	(pc) =	sbr.ind lr, $3  }
0x3a: {  	_ = 	snop  }
0x3b: {  	_ = 	snop  }
0x3c: {  	p2 =	seq.s32 s10, $0x1;
	s10 =	sld [smem:$0x3FB1]  }
0x3d: {  	_ =	shalt  }
0x3e: {  	_ =	shalt  }
0x3f: {  	_ =	shalt  }
0x40: {  	_ =	shalt  }
0x41: {  	_ =	shalt  }
0x42: {  	_ =	shalt  }
0x43: {  	_ =	shalt  }
0x44: {  	_ =	shalt  }
0x45: {  	_ =	shalt  }
0x46: {  	_ =	shalt  }
0x47: {  	_ =	shalt  }
0x48: {  	_ =	shalt  }
0x49: {  	_ =	shalt  }
0x4a: {  	_ =	shalt  }
0x4b: {  	_ =	shalt  }
0x4c: {  	_ =	shalt  }
0x4d: {  	_ =	shalt  }
0x4e: {  	_ =	shalt  }
0x4f: {  	_ =	shalt  }
0x50: {  	_ =	shalt  }
0x51: {  	_ =	shalt  }
0x52: {  	_ =	shalt  }
0x53: {  	_ =	shalt  }
0x54: {  	_ =	shalt  }
0x55: {  	_ =	shalt  }
0x56: {  	_ =	shalt  }
0x57: {  	_ =	shalt  }
0x58: {  	_ =	shalt  }
0x59: {  	_ =	shalt  }
0x5a: {  	_ =	shalt  }
0x5b: {  	_ =	shalt  }
0x5c: {  	_ =	shalt  }
0x5d: {  	_ =	shalt  }
0x5e: {  	_ =	shalt  }
0x5f: {  	_ =	shalt  }
0x60: {  	_ =	shalt  }
0x61: {  	_ =	shalt  }
0x62: {  	_ =	shalt  }
0x63: {  	_ =	shalt  }
0x64: {  	_ =	shalt  }
0x65: {  	_ =	shalt  }
0x66: {  	_ =	shalt  }
0x67: {  	_ =	shalt  }
0x68: {  	_ =	shalt  }
0x69: {  	_ =	shalt  }
0x6a: {  	_ =	shalt  }
0x6b: {  	_ =	shalt  }
0x6c: {  	_ =	shalt  }
0x6d: {  	_ =	shalt  }
0x6e: {  	_ =	shalt  }
0x6f: {  	_ =	shalt  }
0x70: {  	_ =	shalt  }
0x71: {  	_ =	shalt  }
0x72: {  	_ =	shalt  }
0x73: {  	_ =	shalt  }
0x74: {  	_ =	shalt  }
0x75: {  	_ =	shalt  }
0x76: {  	_ =	shalt  }
0x77: {  	_ =	shalt  }
0x78: {  	_ =	shalt  }
0x79: {  	_ =	shalt  }
0x7a: {  	_ =	shalt  }
0x7b: {  	_ =	shalt  }
0x7c: {  	_ =	shalt  }
0x7d: {  	_ =	shalt  }
0x7e: {  	_ =	shalt  }
0x7f: {  	_ =	shalt  }
0x80: {  	_ =	shalt  }
0x81: {  	_ =	shalt  }
0x82: {  	_ =	shalt  }
0x83: {  	_ =	shalt  }
0x84: {  	_ =	shalt  }
0x85: {  	_ =	shalt  }
0x86: {  	_ =	shalt  }
0x87: {  	_ =	shalt  }
.Lfunc_end0:
.L_simem_size_0:
called_computation_lowered:
.L_overlay_start_0:
0x88: {  	s2 =	sld [smem:$0x3FD9]  }
0x89: {  	s3 =	sld [smem:$0x3FFE];
	_ =	sdelay $0x1  }
0x8a: {  	s1 =	srdreg.scid  }
0x8b: {  	s0 =	sand.u32 $0x1, s1  }
0x8c: {  	s17 =	sshll.u32 s0, $0xA;
	s2 =	sadd.s32 s3, s2  }
0x8d: {  	s2 =	sadd.s32 s2, s17  }
0x8e: {  	[smem:$0x3FBD] =	sst s2  }
0x8f: {  	_ = 	snop  }
0x90: {  	s2 =	sld [smem:$0x3FD0];
	(tm) =	ssettm $0x1  }
0x91: {  	s18 =	sld [smem:$0x3FFB];
	_ =	sdelay $0x3  }
0x92: {  	_ =	strace s18  }
0x93: {  	s3 =	sld [smem:$0x3FFC];
	_ =	sdelay $0x3  }
0x94: {  	_ =	strace s3  }
0x95: {  	s3 =	sld [smem:$0x3FFD];
	_ =	sdelay $0x3  }
0x96: {  	_ =	strace s3  }
0x97: {  	_ =	strace $0x8FFFFFFF  }
0x98: {  	s19 =	sld [smem:$0x3FDB];
	_ =	sdelay $0x1  }
0x99: {  	s4 =	simm.s32 $_scs_section_size  }
0x9a: {  	s5 =	simm.s32 $_size__tile_overlayer_lowered;
	s6 =	simm.s32 $_tile_overlayer_lowered  }
0x9b: {  	s22 =	simm.s32 $0x1BFF;
	s21 =	sshll.u32 s6, $0x1;
	s3 =	sadd.s32 s4, s19  }
0x9c: {  	s7 =	simm.s32 $0x0;
	s20 =	sshll.u32 s5, $0x1;
	s5 =	sadd.s32 s21, s3  }
0x9d: {  	[timem:s7], [sflag:s22] =	dma.local [hbm:s5], s20  }
0x9e: {  	_ =	swait.ge [sflag:s22], s20  }
0x9f: {  	s4 =	ssub.s32 $0x0, s20;
	[sflag:s22] =	ssyncset.done $0x0  }
0xa0: {  	[sflag:s22] =	ssyncadd.s32 s4;
	_ =	sdelay $0x1  }
0xa1: {  	s23 =	simm.s32 $0x1B8B  }
0xa2: {  	_ =	swait.ge [sflag:s23], $0x1  }
0xa3: {  	[sflag:s23] =	ssyncset.done $0x0  }
0xa4: {  	s25 =	simm.s32 $0x1B8E;
	s24 =	sld [smem:$0x3FFE];
	[sflag:s23] =	ssyncadd.s32 $0xFFFFFFFF  }
0xa5: {  	s26 =	simm.s32 $execute0_lowered;
	[smem:$0x3FD2] =	sst s25  }
0xa6: {  	s5 =	sshll.u32 s26, $0x1;
	_ =	strace $0x80000046;
	[dreg:$0x1] =	wrdreg $0xFFFFFFFF  }
0xa7: {  	s28 =	simm.s32 $_size_execute0_lowered;
	s3 =	sadd.s32 s3, s5;
	[dreg:$0x0] =	wrdreg $0x0  }
0xa8: {  	s5 =	sshll.u32 s28, $0x1;
	[dreg:$0x2] =	wrdreg s3  }
0xa9: {  	[dreg:$0x3] =	wrdreg s5  }
0xaa: {  	[dreg:$0x4] =	wrdreg $0xC0  }
0xab: {  	_ =	task [dreg:s7], $0x5FFFF  }
0xac: {  	[dreg:$0x1] =	wrdreg $0xFFFFFFFF  }
0xad: {  	[dreg:$0x0] =	wrdreg $0x60  }
0xae: {  	[dreg:$0x2] =	wrdreg s2  }
0xaf: {  	[dreg:$0x3] =	wrdreg s24  }
0xb0: {  	[dreg:$0x4] =	wrdreg $0x9  }
0xb1: {  	_ =	task.clear_ibuf [dreg:s7], $0x5FFFF;
	_ =	strace $0x90000046  }
0xb2: {  	s29 =	simm.s32 $0x9;
	_ =	strace $0x80000048  }
0xb3: {  	_ =	swait.ge [sflag:s29], $0x1  }
0xb4: {  	[sflag:s29] =	ssyncadd.s32 $0xFFFFFFFF  }
0xb5: {  	_ =	strace $0x90000048  }
0xb6: {  	_ =	sfence  }
0xb7: {  	s30 =	sld [smem:$0x0];
	_ =	sdelay $0x2  }
0xb8: {  	s31 =	sshll.u32 s1, $0xD;
	s1 =	sshrl.u32 s1, $0x2  }
0xb9: {  	s3 =	sand.u32 $0x4000, s31;
	s1 =	sadd.s32 s1, s30  }
0xba: {  	s0 =	sor.u32 s3, s0;
	s1 =	sshll.u32 s1, $0x11  }
0xbb: {  	s0 =	sor.u32 s1, s0  }
0xbc: {  	s0 =	sadd.s32 $0x8F2B, s0  }
0xbd: {  	[sflag:s0] =	ssyncadd.remote.s32 $0x1  }
0xbe: {  	_ =	sfence.sel $0xFFFF  }
0xbf: {  	[dreg:$0x0] =	wrdreg $0xFFFFFFFF;
	(pc) =	sbr.abs _section_cstart, $3  }
0xc0: {  	[dreg:$0x1] =	wrdreg $0xFFFFFFFF  }
0xc1: {  	_ =	task.clear_ibuf [dreg:s7], $0x2FFFF;
	_ =	strace $0x9FFFFFFF  }
0xc2: {  	(tm) =	ssettm $0x7FFFFFFF  }
0xc3: {  	_ =	shalt  }
tec
execute0_lowered:
.L_overlay_start_1:
0x0: {  	(tag) =	ssettag $0x1  }
0x1: {  	s0 =	rddreg [dreg:$0x0];
	s1 =	srdreg.scid  }
0x2: {  	s2 =	stileid.u32;
	s4 =	rddreg [dreg:$0x1];
	s28 =	simm.s32 $0x8400  }
0x3: {  	s29 =	simm.s32 $0x9A00;
	s30 =	simm.s32 $0x1000;
	s31 =	simm.s32 $0xB000  }
0x4: {  	s12 =	simm.s32 $0x0;
	s1 =	sand.u32 $0x1, s1;
	s5 =	sshll.u32 s2, $0x1  }
0x5: {  	s7 =	sshrl.u32 s2, $0x3;
	s2 =	simm.s32 $0x0;
	s6 =	sor.u32 s1, s5  }
0x6: {  	s8 =	smul.u32 $0xB0000, s7;
	[smem:$0x7FF] =	sst s2;
	s3 =	sand.u32 $0xF, s6  }
0x7: {  	s1 =	ssub.s32 $0x2, s1;
	s5 =	sand.u32 $0xE, s5;
	s9 =	smul.u32 $0xB000, s3  }
0x8: {  	s7 =	smul.u32 $0x2C0000, s7;
	_ =	strace $0x80000047;
	s10 =	sshrl.u32 s1, $0x1  }
0x9: {  	s18 =	smul.u32 $0xB000, s5;
	s1 =	ssub.s32 s1, s10;
	s8 =	sadd.s32 s8, s9  }
0xa: {  	s17 =	smul.u32 $0x16000, s6;
	s26 =	smax.u32 s1, $0x1;
	s8 =	sshrl.u32 s8, $0x3  }
0xb: {  	s3 =	sadd.s32 $0x59A00, s4;
	[dreg:$0xc] =	wrdreg s26;
	s8 =	sadd.s32 s0, s8  }
0xc: {  	s4 =	sadd.s32 $0x1A00, s4;
	s19 =	sadd.s32 $0x10, s8;
	[dreg:$0x4] =	wrdreg s8  }
0xd: {  	s11 =	sadd.s32 s7, s18;
	s20 =	sadd.s32 $0x20, s8;
	[dreg:$0x5] =	wrdreg s19  }
0xe: {  	s1 =	simm.s32 $0x0;
	s21 =	sadd.s32 $0x30, s8;
	[dreg:$0x6] =	wrdreg s20  }
0xf: {  	s14 =	sadd.s32 $0xB0000, s11;
	s22 =	sadd.s32 $0x40, s8;
	[dreg:$0x7] =	wrdreg s21  }
0x10: {  	s15 =	sadd.s32 $0x160000, s11;
	s23 =	sadd.s32 $0x50, s8;
	[dreg:$0x8] =	wrdreg s22  }
0x11: {  	s16 =	sadd.s32 $0x210000, s11;
	s24 =	sadd.s32 $0x60, s8;
	[dreg:$0x9] =	wrdreg s23  }
0x12: {  	s26 =	simm.s32 $0x6E00;
	s25 =	sadd.s32 $0x70, s8;
	[dreg:$0xa] =	wrdreg s24  }
0x13: {  	[dreg:$0xb] =	wrdreg s25;
	s21 =	simm.s32 $0x1;
	s22 =	simm.s32 $0x1600  }
0x14: {  	s23 =	simm.s32 $0x2C00;
	s24 =	simm.s32 $0x4200;
	s25 =	simm.s32 $0x5800  }
.LBB2_1:
0x15: {  	[dreg:$0xd] =	wrdreg s1  }
0x16: {  	s0 =	rddreg [dreg:$0x4];
	s7 =	simm.s32 $0x80;
	s5 =	simm.s32 $0x400  }
0x17: {  	[tilespmem:s2], [sflag:$0x1] =	stream.strided.gather [hbm4b:s0+s7], $0x1600, s5, s7, $0x38;
	[tilespmem:$0x15000] =	vst v63  }
0x18: {  	_ =	swait.ge [sflag:s21], $0x1600  }
0x19: {  	[sflag:s21] =	ssyncset.done $0x0  }
0x1a: {  	s8 =	rddreg [dreg:$0x5];
	[sflag:s21] =	ssyncadd.s32 $0xFFFFEA00  }
0x1b: {  	[tilespmem:s22], [sflag:$0x1] =	stream.strided.gather [hbm4b:s8+s7], $0x1600, s5, s7, $0x38;
	[tilespmem:$0x15000] =	vst v63  }
0x1c: {  	_ =	swait.ge [sflag:s21], $0x1600  }
0x1d: {  	[sflag:s21] =	ssyncset.done $0x0  }
0x1e: {  	s9 =	rddreg [dreg:$0x6];
	[sflag:s21] =	ssyncadd.s32 $0xFFFFEA00  }
0x1f: {  	[tilespmem:s23], [sflag:$0x1] =	stream.strided.gather [hbm4b:s9+s7], $0x1600, s5, s7, $0x38;
	[tilespmem:$0x15000] =	vst v63  }
0x20: {  	_ =	swait.ge [sflag:s21], $0x1600  }
0x21: {  	[sflag:s21] =	ssyncset.done $0x0  }
0x22: {  	s10 =	rddreg [dreg:$0x7];
	[sflag:s21] =	ssyncadd.s32 $0xFFFFEA00  }
0x23: {  	[tilespmem:s24], [sflag:$0x1] =	stream.strided.gather [hbm4b:s10+s7], $0x1600, s5, s7, $0x38;
	[tilespmem:$0x15000] =	vst v63  }
0x24: {  	_ =	swait.ge [sflag:s21], $0x1600  }
0x25: {  	[sflag:s21] =	ssyncset.done $0x0  }
0x26: {  	s13 =	rddreg [dreg:$0x8];
	[sflag:s21] =	ssyncadd.s32 $0xFFFFEA00  }
0x27: {  	[tilespmem:s25], [sflag:$0x1] =	stream.strided.gather [hbm4b:s13+s7], $0x1600, s5, s7, $0x38;
	[tilespmem:$0x15000] =	vst v63  }
0x28: {  	_ =	swait.ge [sflag:s21], $0x1600  }
0x29: {  	[sflag:s21] =	ssyncset.done $0x0  }
0x2a: {  	s18 =	rddreg [dreg:$0x9];
	[sflag:s21] =	ssyncadd.s32 $0xFFFFEA00  }
0x2b: {  	[tilespmem:s26], [sflag:$0x1] =	stream.strided.gather [hbm4b:s18+s7], $0x1600, s5, s7, $0x38;
	[tilespmem:$0x15000] =	vst v63  }
0x2c: {  	_ =	swait.ge [sflag:s21], $0x1600  }
0x2d: {  	[sflag:s21] =	ssyncset.done $0x0  }
0x2e: {  	s19 =	rddreg [dreg:$0xa];
	[sflag:s21] =	ssyncadd.s32 $0xFFFFEA00  }
0x2f: {  	[tilespmem:s28], [sflag:$0x1] =	stream.strided.gather [hbm4b:s19+s7], $0x1600, s5, s7, $0x38;
	[tilespmem:$0x15000] =	vst v63  }
0x30: {  	_ =	swait.ge [sflag:s21], $0x1600  }
0x31: {  	[sflag:s21] =	ssyncset.done $0x0  }
0x32: {  	s20 =	rddreg [dreg:$0xb];
	[sflag:s21] =	ssyncadd.s32 $0xFFFFEA00  }
0x33: {  	[tilespmem:s29], [sflag:$0x1] =	stream.strided.gather [hbm4b:s20+s7], $0x1600, s5, s7, $0x38;
	[tilespmem:$0x15000] =	vst v63  }
0x34: {  	_ =	swait.ge [sflag:s21], $0x1600  }
0x35: {  	[sflag:s21] =	ssyncset.done $0x0  }
0x36: {  	s9 =	simm.s32 $0x0;
	[sflag:s21] =	ssyncadd.s32 $0xFFFFEA00  }
.LBB2_2:
0x37: {  	s10 =	sshll.u32 s9, $0xC  }
0x38: {  	s1 =	sadd.s32 s10, s11  }
0x39: {  	s1 =	sshrl.u32 s1, $0x3  }
0x3a: {  	s1 =	sadd.s32 s3, s1  }
0x3b: {  	[tilespmem:s31], [sflag:$0x1] =	stream.strided.gather [hbm4b:s1+s30], $0x2000, s31, s30, $0x38;
	[tilespmem:$0x15000] =	vst v63  }
0x3c: {  	s8 =	sadd.s32 s10, s14;
	_ =	swait.ge [sflag:s21], $0x2000  }
0x3d: {  	s1 =	sshrl.u32 s8, $0x3;
	[sflag:s21] =	ssyncset.done $0x0  }
0x3e: {  	s0 =	simm.s32 $0xD000;
	s1 =	sadd.s32 s3, s1;
	[sflag:s21] =	ssyncadd.s32 $0xFFFFE000  }
0x3f: {  	[tilespmem:s0], [sflag:$0x1] =	stream.strided.gather [hbm4b:s1+s30], $0x2000, s31, s30, $0x38;
	[tilespmem:$0x15000] =	vst v63  }
0x40: {  	s13 =	sadd.s32 s10, s15;
	_ =	swait.ge [sflag:s21], $0x2000  }
0x41: {  	s1 =	sshrl.u32 s13, $0x3;
	[sflag:s21] =	ssyncset.done $0x0  }
0x42: {  	s18 =	simm.s32 $0xF000;
	s1 =	sadd.s32 s3, s1;
	[sflag:s21] =	ssyncadd.s32 $0xFFFFE000  }
0x43: {  	[tilespmem:s18], [sflag:$0x1] =	stream.strided.gather [hbm4b:s1+s30], $0x2000, s31, s30, $0x38;
	[tilespmem:$0x15000] =	vst v63  }
0x44: {  	s19 =	sadd.s32 s10, s16;
	_ =	swait.ge [sflag:s21], $0x2000  }
0x45: {  	s1 =	sshrl.u32 s19, $0x3;
	[sflag:s21] =	ssyncset.done $0x0  }
0x46: {  	s20 =	simm.s32 $0x11000;
	s1 =	sadd.s32 s3, s1;
	[sflag:s21] =	ssyncadd.s32 $0xFFFFE000  }
0x47: {  	[tilespmem:s20], [sflag:$0x1] =	stream.strided.gather [hbm4b:s1+s30], $0x2000, s31, s30, $0x38;
	[tilespmem:$0x15000] =	vst v63  }
0x48: {  	_ =	swait.ge [sflag:s21], $0x2000  }
0x49: {  	[sflag:s21] =	ssyncset.done $0x0  }
0x4a: {  	s13 =	simm.s32 $0x0;
	[sflag:s21] =	ssyncadd.s32 $0xFFFFE000  }
.LBB2_3:
0x4b: {  	s18 =	sshll.u32 s13, $0x7;
	s5 =	sshll.u32 s13, $0x4  }
0x4c: {  	s19 =	sand.u32 $0xC00, s18;
	s20 =	sand.u32 $0x70, s5  }
0x4d: {  	s1 =	sor.u32 $0xB000, s19;
	v0 =	vmov s20  }
0x4e: {  	[dreg:$0x3] =	wrdreg s1  }
0x4f: {  	s8 =	sand.u32 $0x7000, s12;
	s1 =	rddreg [dreg:$0x3]  }
0x50: {  	s0 =	sand.u32 $0x300, s12;
	s1 =	sadd.s32 s8, s1  }
0x51: {  	s0 =	sadd.s32 s0, s1  }
0x52: {  	v1 =	vld.idx.msk [tilespmem:v0+s0+$0x0 ss:$0x1], $0xffff  }
0x53: {  	v2 =	vld.idx.msk [tilespmem:v0+s0+$0x80 ss:$0x1], $0xffff;
	_ =	sdelay $0x3  }
0x54: {  	s8 =	simm.s32 $0x400;
	v4 =	vshra.s32 v1, $0x10  }
0x55: {  	s7 =	simm.s32 $0x100;
	s6 =	sand.u32 $0x7000, s8;
	s0 =	rddreg [dreg:$0x3];
	v3 =	vshra.s32 v2, $0x10  }
0x56: {  	s1 =	sand.u32 $0x300, s7;
	s0 =	sadd.s32 s6, s0  }
0x57: {  	s0 =	sadd.s32 s1, s0  }
0x58: {  	v34 =	vld.idx.msk [tilespmem:v0+s0+$0x80 ss:$0x1], $0xffff  }
0x59: {  	v5 =	vld.idx.msk [tilespmem:v4+s25+$0x0], $0xffff  }
0x5a: {  	v6 =	vld.idx.msk [tilespmem:v3+s28+$0x0], $0xffff  }
0x5b: {  	v8 =	vld.idx.msk [tilespmem:v3+s29+$0x0], $0xffff  }
0x5c: {  	v7 =	vld.idx.msk [tilespmem:v3+s23+$0x0], $0xffff  }
0x5d: {  	v9 =	vld.idx.msk [tilespmem:v3+s2+$0x0], $0xffff  }
0x5e: {  	v12 =	vshll.u32 v1, $0x10;
	v1 =	vld.idx.msk [tilespmem:v3+s22+$0x0], $0xffff  }
0x5f: {  	v14 =	vld.idx.msk [tilespmem:v3+s24+$0x0], $0xffff  }
0x60: {  	v18 =	vld.idx.msk [tilespmem:v4+s28+$0x0], $0xffff  }
0x61: {  	v13 =	vimm.f32 $0.0e+00;
	v16 =	vshll.u32 v2, $0x10;
	v38 =	vshra.s32 v34, $0x10;
	v10 =	vld.idx.msk [tilespmem:v4+s24+$0x0], $0xffff  }
0x62: {  	v2 =	vld.idx.msk [tilespmem:v3+s26+$0x0], $0xffff;
	v11 =	vmul.f32 v5, v12;
	v5 =	vshll.u32 v5, $0x10;
	v15 =	vshll.u32 v6, $0x10  }
0x63: {  	v19 =	vmul.f32 v6, v16;
	v6 =	vld.idx.msk [tilespmem:v3+s25+$0x0], $0xffff;
	v3 =	vshll.u32 v7, $0x10;
	v17 =	vmul.f32 v7, v16  }
0x64: {  	v21 =	vmul.f32 v1, v16;
	v23 =	vmul.f32 v9, v16;
	v25 =	vshll.u32 v14, $0x10  }
0x65: {  	v26 =	vshll.u32 v18, $0x10;
	v14 =	vmul.f32 v14, v16;
	v18 =	vmul.f32 v18, v12  }
0x66: {  	v22 =	vshll.u32 v10, $0x10;
	v5 =	vmul.f32 v5, v12;
	v20 =	vmul.f32 v3, v16  }
0x67: {  	v7 =	vshll.u32 v9, $0x10;
	v9 =	vld.idx.msk [tilespmem:v4+s2+$0x0], $0xffff;
	v22 =	vmul.f32 v22, v12;
	v33 =	vmul.f32 v26, v12  }
0x68: {  	v3 =	vshll.u32 v1, $0x10;
	v1 =	vld.idx.msk [tilespmem:v4+s26+$0x0], $0xffff;
	v7 =	vmul.f32 v7, v16;
	v15 =	vmul.f32 v15, v16  }
0x69: {  	v31 =	vld.idx.msk [tilespmem:v0+s0+$0x0 ss:$0x1], $0xffff;
	v24 =	vmul.f32 v3, v16;
	v3 =	vshll.u32 v2, $0x10;
	v2 =	vmul.f32 v2, v16  }
0x6a: {  	v28 =	vld.idx.msk [tilespmem:v4+s29+$0x0], $0xffff;
	v11 =	vadd.f32 v11, v13;
	v27 =	vmul.f32 v3, v16;
	v3 =	vmul.f32 v10, v12  }
0x6b: {  	v26 =	vld.idx.msk [tilespmem:v4+s23+$0x0], $0xffff;
	v5 =	vadd.f32 v5, v13;
	v10 =	vmul.f32 v25, v16;
	v25 =	vshll.u32 v8, $0x10  }
0x6c: {  	v22 =	vadd.f32 v22, v13;
	v29 =	vmul.f32 v6, v16;
	v30 =	vadd.f32 v3, v13  }
0x6d: {  	v32 =	vmul.f32 v9, v12;
	v6 =	vshll.u32 v6, $0x10;
	v3 =	vshll.u32 v1, $0x10  }
0x6e: {  	v4 =	vld.idx.msk [tilespmem:v4+s22+$0x0], $0xffff;
	v1 =	vmul.f32 v1, v12;
	v35 =	vmul.f32 v3, v12;
	v37 =	vadd.f32 v29, v11  }
0x6f: {  	v3 =	vshll.u32 v9, $0x10;
	v29 =	vadd.f32 v32, v13;
	v11 =	vadd.f32 v14, v30  }
0x70: {  	v9 =	vshra.s32 v31, $0x10;
	v14 =	vshll.u32 v28, $0x10;
	v30 =	vshll.u32 v26, $0x10  }
0x71: {  	v28 =	vmul.f32 v28, v12;
	v62 =	vmul.f32 v3, v12;
	v3 =	vadd.f32 v10, v22  }
0x72: {  	v1 =	vadd.f32 v1, v13;
	v36 =	vmul.f32 v14, v12;
	v22 =	vadd.f32 v35, v13  }
0x73: {  	v14 =	vadd.f32 v23, v29;
	v29 =	vshll.u32 v4, $0x10;
	v10 =	vadd.f32 v62, v13  }
0x74: {  	v35 =	vadd.f32 v28, v13;
	v1 =	vadd.f32 v2, v1;
	v2 =	vmul.f32 v6, v16  }
0x75: {  	v39 =	vld.idx.msk [tilespmem:v38+s23+$0x0], $0xffff;
	v6 =	vmul.f32 v26, v12;
	v40 =	vadd.f32 v36, v13;
	v10 =	vadd.f32 v7, v10  }
0x76: {  	v28 =	vld.idx.msk [tilespmem:v38+s24+$0x0], $0xffff;
	v26 =	vadd.f32 v2, v5;
	v5 =	vmul.f32 v29, v12;
	v29 =	vadd.f32 v33, v13  }
0x77: {  	v23 =	vld.idx.msk [tilespmem:v9+s25+$0x0], $0xffff;
	v7 =	vadd.f32 v27, v22;
	v27 =	vmul.f32 v30, v12;
	v6 =	vadd.f32 v6, v13  }
0x78: {  	v22 =	vld.idx.msk [tilespmem:v38+s28+$0x0], $0xffff;
	v12 =	vmul.f32 v4, v12;
	v63 =	vadd.f32 v5, v13;
	v5 =	vadd.f32 v15, v29  }
0x79: {  	v25 =	vmul.f32 v25, v16;
	v2 =	vld.idx.msk [tilespmem:v38+s29+$0x0], $0xffff;
	v15 =	vadd.f32 v27, v13;
	v27 =	vadd.f32 v18, v13  }
0x7a: {  	v32 =	vmul.f32 v8, v16;
	v30 =	vld.idx.msk [tilespmem:v38+s2+$0x0], $0xffff;
	v16 =	vadd.f32 v17, v6;
	v13 =	vadd.f32 v12, v13  }
0x7b: {  	v33 =	vld.idx.msk [tilespmem:v38+s22+$0x0], $0xffff;
	v18 =	vadd.f32 v24, v63;
	v17 =	vadd.f32 v20, v15  }
0x7c: {  	v4 =	vshll.u32 v31, $0x10;
	v29 =	vld.idx.msk [tilespmem:v9+s24+$0x0], $0xffff;
	v12 =	vadd.f32 v19, v27;
	v21 =	vadd.f32 v21, v13  }
0x7d: {  	v19 =	vld.idx.msk [tilespmem:v9+s28+$0x0], $0xffff;
	v13 =	vadd.f32 v25, v40;
	v6 =	vmul.f32 v23, v4;
	v8 =	vshll.u32 v23, $0x10  }
0x7e: {  	v27 =	vld.idx.msk [tilespmem:v9+s26+$0x0], $0xffff;
	v15 =	vshll.u32 v22, $0x10;
	v36 =	vmul.f32 v8, v4;
	v8 =	vshll.u32 v34, $0x10  }
0x7f: {  	v34 =	vld.idx.msk [tilespmem:v38+s26+$0x0], $0xffff;
	v24 =	vadd.f32 v6, v37;
	v6 =	vmul.f32 v22, v8;
	v22 =	vshll.u32 v39, $0x10  }
0x80: {  	s1 =	simm.s32 $0x200;
	v23 =	vld.idx.msk [tilespmem:v38+s25+$0x0], $0xffff;
	v31 =	vshll.u32 v30, $0x10;
	v20 =	vmul.f32 v39, v8;
	v22 =	vmul.f32 v22, v8  }
.LBB2_4:
0x81: {  	v30 =	vmul.f32 v30, v8;
	v41 =	vshll.u32 v2, $0x10;
	v31 =	vmul.f32 v31, v8  }
0x82: {  	v15 =	vmul.f32 v15, v8;
	v35 =	vadd.f32 v32, v35;
	v41 =	vmul.f32 v41, v8  }
0x83: {  	s8 =	sadd.s32 $0x400, s8;
	v54 =	vld.idx.msk [tilespmem:v9+s2+$0x0], $0xffff;
	v38 =	vshll.u32 v33, $0x10;
	v25 =	vmul.f32 v33, v8;
	v55 =	vshll.u32 v29, $0x10  }
0x84: {  	s0 =	rddreg [dreg:$0x3];
	s6 =	smov.u32 s1;
	s7 =	sand.u32 $0x7000, s8;
	v57 =	vshll.u32 v34, $0x10;
	v58 =	vmul.f32 v34, v8;
	v29 =	vmul.f32 v29, v4  }
0x85: {  	v37 =	vld.idx.msk [tilespmem:v9+s22+$0x0], $0xffff;
	s6 =	sand.u32 $0x300, s6;
	s0 =	sadd.s32 s7, s0;
	v39 =	vshll.u32 v28, $0x10;
	v44 =	vmul.f32 v23, v8;
	v28 =	vmul.f32 v28, v8  }
0x86: {  	v40 =	vld.idx.msk [tilespmem:v9+s29+$0x0], $0xffff;
	s0 =	sadd.s32 s6, s0;
	v43 =	vshll.u32 v19, $0x10;
	v19 =	vmul.f32 v19, v4;
	v56 =	vmul.f32 v38, v8  }
0x87: {  	v26 =	vadd.f32 v36, v26;
	v42 =	vld.idx.msk [tilespmem:v0+s0+$0x0 ss:$0x1], $0xffff;
	v33 =	vmul.f32 v55, v4;
	v38 =	vmul.f32 v57, v8  }
0x88: {  	v45 =	vld.idx.msk [tilespmem:v0+s0+$0x80 ss:$0x1], $0xffff;
	v23 =	vshll.u32 v23, $0x10;
	v39 =	vmul.f32 v39, v8;
	v46 =	vmul.f32 v54, v4  }
0x89: {  	v47 =	vld.idx.msk [tilespmem:v9+s23+$0x0], $0xffff;
	v59 =	vmul.f32 v43, v4;
	v9 =	vshll.u32 v54, $0x10;
	v23 =	vmul.f32 v23, v8  }
0x8a: {  	v11 =	vadd.f32 v29, v11;
	v29 =	vshll.u32 v27, $0x10;
	v24 =	vadd.f32 v44, v24  }
0x8b: {  	v27 =	vmul.f32 v27, v4;
	v32 =	vmul.f32 v9, v4;
	v12 =	vadd.f32 v19, v12  }
0x8c: {  	v3 =	vadd.f32 v33, v3;
	v14 =	vadd.f32 v46, v14;
	v9 =	vshra.s32 v42, $0x10  }
0x8d: {  	v26 =	vadd.f32 v23, v26;
	v1 =	vadd.f32 v27, v1;
	v27 =	vshra.s32 v45, $0x10  }
0x8e: {  	v29 =	vmul.f32 v29, v4;
	v5 =	vadd.f32 v59, v5;
	v11 =	vadd.f32 v28, v11  }
0x8f: {  	v10 =	vadd.f32 v32, v10;
	v28 =	vshll.u32 v40, $0x10;
	v12 =	vadd.f32 v6, v12  }
0x90: {  	v3 =	vadd.f32 v39, v3;
	v7 =	vadd.f32 v29, v7;
	v29 =	vshll.u32 v47, $0x10  }
0x91: {  	v28 =	vmul.f32 v28, v4;
	v14 =	vadd.f32 v30, v14;
	v30 =	vshll.u32 v37, $0x10;
	v60 =	vld.idx.msk [tilespmem:v9+s25+$0x0], $0xffff  }
0x92: {  	v37 =	vmul.f32 v37, v4;
	v5 =	vadd.f32 v15, v5;
	v1 =	vadd.f32 v58, v1;
	v61 =	vld.idx.msk [tilespmem:v27+s28+$0x0], $0xffff  }
0x93: {  	v10 =	vadd.f32 v31, v10;
	v31 =	vmul.f32 v47, v4;
	v23 =	vmul.f32 v30, v4;
	v62 =	vld.idx.msk [tilespmem:v27+s29+$0x0], $0xffff  }
0x94: {  	v29 =	vmul.f32 v29, v4;
	v7 =	vadd.f32 v38, v7;
	v13 =	vadd.f32 v28, v13;
	v63 =	vld.idx.msk [tilespmem:v27+s23+$0x0], $0xffff  }
0x95: {  	v32 =	vmul.f32 v2, v8;
	v21 =	vadd.f32 v37, v21;
	v16 =	vadd.f32 v31, v16;
	v30 =	vld.idx.msk [tilespmem:v27+s2+$0x0], $0xffff  }
0x96: {  	v8 =	vshll.u32 v45, $0x10;
	v18 =	vadd.f32 v23, v18;
	v15 =	vadd.f32 v29, v17;
	v33 =	vld.idx.msk [tilespmem:v27+s22+$0x0], $0xffff  }
0x97: {  	p0 =	sne.s32 s1, $0x1F00;
	v31 =	vmul.f32 v40, v4;
	v21 =	vadd.f32 v25, v21;
	v13 =	vadd.f32 v41, v13;
	v29 =	vld.idx.msk [tilespmem:v9+s24+$0x0], $0xffff  }
.Ltmp0:
0x98: {  	v4 =	vshll.u32 v42, $0x10;
	v18 =	vadd.f32 v56, v18;
	v16 =	vadd.f32 v20, v16;
	v23 =	vld.idx.msk [tilespmem:v27+s25+$0x0], $0xffff;
	(pc) =	sbr.rel @p0 .LBB2_4-.Ltmp0, $4  }
0x99: {  	v35 =	vadd.f32 v31, v35;
	v17 =	vadd.f32 v22, v15;
	v34 =	vld.idx.msk [tilespmem:v27+s26+$0x0], $0xffff;
	v19 =	vmul.f32 v60, v4  }
0x9a: {  	v28 =	vld.idx.msk [tilespmem:v27+s24+$0x0], $0xffff;
	v20 =	vshll.u32 v60, $0x10;
	v15 =	vshll.u32 v61, $0x10;
	v6 =	vmul.f32 v61, v8  }
0x9b: {  	v27 =	vld.idx.msk [tilespmem:v9+s26+$0x0], $0xffff;
	v2 =	vmovc v62;
	v22 =	vshll.u32 v63, $0x10;
	v31 =	vshll.u32 v30, $0x10;
	v36 =	vmul.f32 v20, v4  }
0x9c: {  	s1 =	sadd.s32 $0x100, s1;
	v20 =	vmul.f32 v63, v8;
	v22 =	vmul.f32 v22, v8;
	v24 =	vadd.f32 v19, v24;
	v19 =	vld.idx.msk [tilespmem:v9+s28+$0x0], $0xffff  }
0x9d: {  	_ =	sdelay $0x1  }
0x9e: {  	v25 =	vshll.u32 v33, $0x10  }
0x9f: {  	v56 =	vmul.f32 v33, v8;
	v32 =	vadd.f32 v32, v35;
	v37 =	vshll.u32 v29, $0x10  }
0xa0: {  	v0 =	vld.idx.msk [tilespmem:v9+s2+$0x0], $0xffff;
	v26 =	vadd.f32 v36, v26;
	v30 =	vmul.f32 v30, v8;
	v60 =	vmul.f32 v29, v4  }
0xa1: {  	v57 =	vld.idx.msk [tilespmem:v9+s22+$0x0], $0xffff;
	v41 =	vshll.u32 v2, $0x10;
	v31 =	vmul.f32 v31, v8;
	v48 =	vshll.u32 v23, $0x10  }
0xa2: {  	v39 =	vld.idx.msk [tilespmem:v9+s23+$0x0], $0xffff;
	v25 =	vmul.f32 v25, v8;
	v58 =	vshll.u32 v34, $0x10;
	v59 =	vmul.f32 v34, v8  }
0xa3: {  	v37 =	vmul.f32 v37, v4;
	v49 =	vmul.f32 v48, v8;
	v38 =	vshll.u32 v28, $0x10  }
0xa4: {  	v36 =	vmul.f32 v58, v8;
	v11 =	vadd.f32 v60, v11;
	v46 =	vmul.f32 v28, v8  }
0xa5: {  	v38 =	vmul.f32 v38, v8;
	v40 =	vshll.u32 v0, $0x10;
	v0 =	vmul.f32 v0, v4  }
0xa6: {  	v3 =	vadd.f32 v37, v3;
	v61 =	vshll.u32 v57, $0x10;
	v35 =	vmul.f32 v57, v4  }
0xa7: {  	v62 =	vshll.u32 v39, $0x10;
	v39 =	vmul.f32 v39, v4;
	v0 =	vadd.f32 v0, v14  }
0xa8: {  	s0 =	sadd.s32 s20, s19;
	v3 =	vadd.f32 v38, v3;
	v40 =	vmul.f32 v40, v4;
	v21 =	vadd.f32 v35, v21  }
0xa9: {  	v63 =	vld.idx.msk [tilespmem:v9+s29+$0x0], $0xffff;
	s1 =	sadd.s32 $0x13000, s0;
	v29 =	vmul.f32 v61, v4;
	v16 =	vadd.f32 v39, v16;
	v0 =	vadd.f32 v30, v0  }
0xaa: {  	v14 =	vmul.f32 v62, v4;
	[tilespmem:s1+$0x300] =	vst v3;
	v10 =	vadd.f32 v40, v10;
	v45 =	vadd.f32 v56, v21  }
0xab: {  	v44 =	vshll.u32 v27, $0x10;
	v18 =	vadd.f32 v29, v18;
	v16 =	vadd.f32 v20, v16;
	[tilespmem:s1+$0x80] =	vst v0  }
0xac: {  	v51 =	vmul.f32 v27, v4;
	v14 =	vadd.f32 v14, v17;
	v10 =	vadd.f32 v31, v10;
	[tilespmem:s1+$0x180] =	vst v45  }
0xad: {  	v53 =	vadd.f32 v49, v26;
	v42 =	vshll.u32 v19, $0x10;
	v43 =	vadd.f32 v25, v18;
	[tilespmem:s1+$0x280] =	vst v16  }
0xae: {  	v55 =	vmul.f32 v19, v4;
	v47 =	vmul.f32 v42, v4;
	v14 =	vadd.f32 v22, v14;
	[tilespmem:s0+$0x13000] =	vst v10  }
0xaf: {  	s5 =	sor.u32 s18, s5;
	v52 =	vshll.u32 v63, $0x10;
	v40 =	vmul.f32 v23, v8;
	v0 =	vadd.f32 v46, v11;
	[tilespmem:s1+$0x100] =	vst v43  }
0xb0: {  	s20 =	sor.u32 $0x380, s5;
	v1 =	vadd.f32 v51, v1;
	v54 =	vmul.f32 v52, v4;
	v58 =	vadd.f32 v55, v12;
	[tilespmem:s1+$0x200] =	vst v14  }
0xb1: {  	v57 =	vmul.f32 v63, v4;
	v5 =	vadd.f32 v47, v5;
	v50 =	vadd.f32 v40, v24;
	[tilespmem:s20+$0x13000] =	vst v0  }
0xb2: {  	v1 =	vadd.f32 v59, v1;
	v59 =	vmul.f32 v41, v8;
	v3 =	vadd.f32 v54, v13;
	[tilespmem:s0+$0x14000] =	vst v53  }
0xb3: {  	s13 =	sadd.s32 $0x1, s13;
	v61 =	vadd.f32 v6, v58;
	v56 =	vmul.f32 v15, v8;
	v10 =	vmul.f32 v44, v4;
	[tilespmem:s0+$0x14080] =	vst v50  }
0xb4: {  	p0 =	sne.s32 s13, $0x20;
	v60 =	vmul.f32 v2, v8;
	v62 =	vadd.f32 v59, v3;
	v4 =	vadd.f32 v57, v32;
	[tilespmem:s0+$0x14180] =	vst v1  }
.Ltmp1:
0xb5: {  	v7 =	vadd.f32 v10, v7;
	v0 =	vadd.f32 v56, v5;
	[tilespmem:s0+$0x14280] =	vst v61;
	(pc) =	sbr.rel @p0 .LBB2_3-.Ltmp1, $4  }
0xb6: {  	v63 =	vadd.f32 v60, v4;
	[tilespmem:s0+$0x14300] =	vst v62  }
0xb7: {  	v7 =	vadd.f32 v36, v7;
	[tilespmem:s0+$0x14200] =	vst v0  }
0xb8: {  	[tilespmem:s0+$0x14380] =	vst v63  }
0xb9: {  	[tilespmem:s0+$0x14100] =	vst v7  }
0xba: {  	s0 =	sadd.s32 s17, s10;
	s9 =	sadd.s32 $0x1, s9  }
0xbb: {  	s0 =	sshrl.u32 s0, $0x3;
	p0 =	sne.s32 s9, $0xB  }
.Ltmp2:
0xbc: {  	s1 =	simm.s32 $0x13000;
	s0 =	sadd.s32 s4, s0;
	(pc) =	sbr.rel @p0 .LBB2_2-.Ltmp2, $4  }
0xbd: {  	[hbm4b:s0+s30] =	stream.strided.scatter [tilespmem:s1], [sflag:$0x1], $0x2000, s31, s30, $0x38;
	[tilespmem:$0x15000] =	vst v63  }
0xbe: {  	_ =	swait.ge [sflag:s21], $0x2000  }
0xbf: {  	[sflag:s21] =	ssyncset.done $0x0  }
0xc0: {  	[sflag:s21] =	ssyncadd.s32 $0xFFFFE000  }
0xc1: {  	s1 =	rddreg [dreg:$0xd]  }
0xc2: {  	s0 =	rddreg [dreg:$0xc];
	s1 =	sadd.s32 $0x1, s1  }
0xc3: {  	p0 =	sne.s32 s1, s0  }
.Ltmp3:
0xc4: {  	_ = 	snop;
	(pc) =	sbr.rel @p0 .LBB2_1-.Ltmp3, $1  }
0xc5: {  	_ =	sdelay $0x3  }
0xc6: {  	_ =	sfence.sel $0x180000  }
0xc7: {  	[bflag:$0x0] =	sbarrier.arrive $0xFFFF  }
0xc8: {  	_ =	strace $0x90000047  }
0xc9: {  	s0 =	stileid.u32;
	[bflag:$0x2] =	sbarrier.arrive $0xFFFF  }
0xca: {  	p0 =	sne.s32 s0, $0x0;
	s0 =	rddreg [dreg:$0x2]  }
0xcb: {  	s0 =	sadd.s32 @!p0 $0x100000, s0  }
0xcc: {  	[sflag:s0] =	ssyncadd.tile.s32 @!p0 $0x1;
	_ =	shalt  }
.Lfunc_end2:
_tile_overlayer_lowered:
.L_overlay_start_2:
0xcd: {  	(tag) =	ssettag $0x2  }
0xce: {  	s0 =	rddreg [dreg:$0x0];
	s2 =	stileid.u32  }
0xcf: {  	s1 =	rddreg [dreg:$0x1];
	p0 =	sne.s32 s2, $0x0  }
0xd0: {  	s3 =	rddreg [dreg:$0x2];
	[bflag:$0x3] =	sbarrier.arrive $0xFFFF;
	s2 =	simm.s32 @!p0 $0x1C01  }
0xd1: {  	[timem:s3], [sflag:s2] =	dma.local @!p0 [hbm:s0], s1  }
0xd2: {  	s0 =	simm.s32 @!p0 $0x1  }
0xd3: {  	_ =	swait.ge @!p0 [sflag:s0], s1  }
0xd4: {  	s1 =	ssub.s32 @!p0 $0x0, s1;
	[sflag:s0] =	ssyncset.done @!p0 $0x0  }
0xd5: {  	[sflag:s0] =	ssyncadd.s32 @!p0 s1  }
0xd6: {  	[bflag:$0x3] =	sbarrier.arrive $0xFFFF  }
0xd7: {  	_ =	shalt  }

</sc_bundles>
